<compile_context>
chip_gen: v7x
topology: tpu7x:2x2x1
jax: 0.10.2.dev20260603
libtpu: 0.0.44.dev20260713+nightly
codegen_flags: <defaults>
</compile_context>

<pallas_src>
import functools

import jax
import jax.numpy as jnp
from jax import lax
from jax.experimental import pallas as pl
from jax.experimental.pallas import tpu as pltpu
from jax.experimental.pallas import tpu_sc as plsc

N = 10000
IN_DIM = 128
OUT_DIM = 256
E = 320000

NPAD = 10240
CHUNK = 128
NC, NS = 2, 16
NW = NC * NS
NCHT = 2560
CPT = NCHT // NW
CPT0 = 152
CPT1 = 8
PHASE = 8
ROWS_PER_TILE = NPAD // NS

_MESH = plsc.VectorSubcoreMesh(core_axis_name="c", subcore_axis_name="s")


def _fill(vmem_ref, value):
    v = jnp.full((16,), value, jnp.float32)

    @pl.loop(0, vmem_ref.shape[0])
    def _(r):
        @pl.loop(0, 8)
        def _(c):
            vmem_ref[r, pl.ds(c * 16, 16)] = v


def _sc_degree(dst_c):

    @functools.partial(
        pl.kernel,
        mesh=_MESH,
        out_type=jax.ShapeDtypeStruct((NC, NPAD, IN_DIM), jnp.float32),
        scratch_types=[
            pltpu.VMEM((CPT, CHUNK), jnp.int32),
            pltpu.VMEM((CHUNK, IN_DIM), jnp.float32),
            pltpu.VMEM((64, IN_DIM), jnp.float32),
            pltpu.VMEM_SHARED((NPAD, IN_DIM), jnp.float32),
            pltpu.SemaphoreType.DMA,
        ],
    )
    def k(dst_hbm, out_hbm, idx_v, ones_v, zeros_v, acc_sh, sem):
        cid = lax.axis_index("c")
        sid = lax.axis_index("s")
        wid = sid * NC + cid

        _fill(ones_v, 1.0)
        _fill(zeros_v, 0.0)

        @pl.loop(0, ROWS_PER_TILE // 64)
        def _(t):
            pltpu.sync_copy(
                zeros_v, acc_sh.at[pl.ds(sid * ROWS_PER_TILE + t * 64, 64)])

        plsc.subcore_barrier()

        pltpu.sync_copy(dst_hbm.at[pl.ds(wid * CPT, CPT)], idx_v)

        @pl.loop(0, CPT)
        def _(j):
            pltpu.sync_copy(ones_v, acc_sh.at[idx_v.at[j]], add=True)

        plsc.subcore_barrier()
        rows = pl.ds(sid * ROWS_PER_TILE, ROWS_PER_TILE)
        pltpu.sync_copy(acc_sh.at[rows], out_hbm.at[cid, rows])

    return k(dst_c)


def _sc_aggregate(xs, src_c, dst_c):

    @functools.partial(
        pl.kernel,
        mesh=_MESH,
        out_type=jax.ShapeDtypeStruct((NC, NPAD, IN_DIM), jnp.float32),
        scratch_types=[
            pltpu.VMEM((PHASE, CHUNK), jnp.int32),
            pltpu.VMEM((PHASE, CHUNK), jnp.int32),
            pltpu.VMEM((CHUNK, IN_DIM), jnp.float32),
            pltpu.VMEM((CHUNK, IN_DIM), jnp.float32),
            pltpu.VMEM((16, IN_DIM), jnp.float32),
            pltpu.VMEM_SHARED((NPAD, IN_DIM), jnp.float32),
            pltpu.SemaphoreType.DMA,
            pltpu.SemaphoreType.DMA,
            pltpu.SemaphoreType.DMA,
        ],
    )
    def k(xs_hbm, src_hbm, dst_hbm, out_hbm, src_v, dst_v, b0, b1, zeros_v,
          acc_sh, sg0, sg1, ss):
        cid = lax.axis_index("c")
        sid = lax.axis_index("s")

        def pipeline(base_chunk, cpt):
            half = PHASE

            @pl.loop(0, cpt // PHASE)
            def _(h):
                base = base_chunk + h * half
                pltpu.sync_copy(src_hbm.at[pl.ds(base, half)], src_v)
                pltpu.sync_copy(dst_hbm.at[pl.ds(base, half)], dst_v)

                pltpu.async_copy(xs_hbm.at[src_v.at[0]], b0, sg0)
                pltpu.async_copy(xs_hbm.at[src_v.at[1]], b1, sg1)

                @pl.loop(0, half // 2)
                def _(t):
                    j0 = 2 * t
                    j1 = j0 + 1
                    pltpu.make_async_copy(
                        xs_hbm.at[src_v.at[j0]], b0, sg0).wait()
                    pltpu.async_copy(b0, acc_sh.at[dst_v.at[j0]], ss, add=True)
                    pltpu.make_async_copy(
                        xs_hbm.at[src_v.at[j1]], b1, sg1).wait()
                    pltpu.async_copy(b1, acc_sh.at[dst_v.at[j1]], ss, add=True)
                    pltpu.make_async_copy(b0, acc_sh.at[dst_v.at[j0]], ss).wait()
                    pltpu.make_async_copy(b1, acc_sh.at[dst_v.at[j1]], ss).wait()

                    @pl.when(j0 + 2 < half)
                    def _():
                        pltpu.async_copy(xs_hbm.at[src_v.at[j0 + 2]], b0, sg0)
                        pltpu.async_copy(xs_hbm.at[src_v.at[j1 + 2]], b1, sg1)

        _fill(zeros_v, 0.0)

        @pl.loop(0, ROWS_PER_TILE // 16)
        def _(t):
            pltpu.sync_copy(
                zeros_v, acc_sh.at[pl.ds(sid * ROWS_PER_TILE + t * 16, 16)])

        plsc.subcore_barrier()

        @pl.when(cid == 0)
        def _():
            pipeline(sid * CPT0, CPT0)

        @pl.when(cid == 1)
        def _():
            pipeline(NS * CPT0 + sid * CPT1, CPT1)

        plsc.subcore_barrier()
        rows = pl.ds(sid * ROWS_PER_TILE, ROWS_PER_TILE)
        pltpu.sync_copy(acc_sh.at[rows], out_hbm.at[cid, rows])

    return k(xs, src_c, dst_c)


_BR = 400


def _tc_scale(x, degp):

    def body(x_ref, d_ref, xs_ref):
        deg = d_ref[0, :, :1] + d_ref[1, :, :1] + 1.0
        xs_ref[...] = x_ref[...] * lax.rsqrt(deg)

    return pl.pallas_call(
        body,
        grid=(N // _BR,),
        in_specs=[
            pl.BlockSpec((_BR, IN_DIM), lambda i: (i, 0)),
            pl.BlockSpec((NC, _BR, IN_DIM), lambda i: (0, i, 0)),
        ],
        out_specs=pl.BlockSpec((_BR, IN_DIM), lambda i: (i, 0)),
        out_shape=jax.ShapeDtypeStruct((N, IN_DIM), jnp.float32),
    )(x, degp)


def _tc_final(accp, xs, degp, W, b2):

    def body(a_ref, xs_ref, d_ref, w_ref, b_ref, o_ref):
        deg = d_ref[0, :, :1] + d_ref[1, :, :1] + 1.0
        s = (a_ref[0] + a_ref[1] + xs_ref[...]) * lax.rsqrt(deg)
        o_ref[...] = (
            jnp.dot(s, w_ref[...], preferred_element_type=jnp.float32,
                    precision=lax.Precision.HIGHEST)
            + b_ref[...])

    return pl.pallas_call(
        body,
        grid=(N // _BR,),
        in_specs=[
            pl.BlockSpec((NC, _BR, IN_DIM), lambda i: (0, i, 0)),
            pl.BlockSpec((_BR, IN_DIM), lambda i: (i, 0)),
            pl.BlockSpec((NC, _BR, IN_DIM), lambda i: (0, i, 0)),
            pl.BlockSpec((IN_DIM, OUT_DIM), lambda i: (0, 0)),
            pl.BlockSpec((1, OUT_DIM), lambda i: (0, 0)),
        ],
        out_specs=pl.BlockSpec((_BR, OUT_DIM), lambda i: (i, 0)),
        out_shape=jax.ShapeDtypeStruct((N, OUT_DIM), jnp.float32),
    )(accp, xs, degp, W, b2)


def kernel(x, edge_index, W, b):
    src = edge_index[0].astype(jnp.int32)
    dst = edge_index[1].astype(jnp.int32)
    pad_e = NCHT * CHUNK - E
    src_c = jnp.concatenate(
        [src, jnp.zeros((pad_e,), jnp.int32)]).reshape(NCHT, CHUNK)
    dst_c = jnp.concatenate(
        [dst, jnp.full((pad_e,), N, jnp.int32)]).reshape(NCHT, CHUNK)

    degp = _sc_degree(dst_c)
    xs = _tc_scale(x, degp)
    accp = _sc_aggregate(xs, src_c, dst_c)
    return _tc_final(accp, xs, degp, W, b.reshape(1, OUT_DIM))

# --- scband reference (transcript-rebuilt; emitter-appended) ---
"""Pipeline reference for scband-gcn-1-38963943309620 (READ-ONLY COPY).

The authoritative reference and input builder live on the scoring server;
editing this copy changes nothing except your own understanding.
"""

import jax, jax.numpy as jnp
import numpy as np

N_NODES = 10000
N_EDGES = 320000
IN_DIM = 128
OUT_DIM = 256


def setup_inputs(seed: int = 0) -> dict:
    key = jax.random.key(seed)
    k1, k2, k3, k4 = jax.random.split(key, 4)
    x = jax.random.normal(k1, (N_NODES, IN_DIM), dtype=jnp.float32)
    edge_index = jax.random.randint(k2, (2, N_EDGES), 0, N_NODES, dtype=jnp.int64)
    # GCNConv linear weight (stored as [in, out] for x @ W) + bias
    W = jax.random.normal(k3, (IN_DIM, OUT_DIM), dtype=jnp.float32) * (1.0 / np.sqrt(IN_DIM))
    b = jax.random.normal(k4, (OUT_DIM,), dtype=jnp.float32) * 0.01
    return {"x": x, "edge_index": edge_index, "W": W, "b": b}


def reference(x, edge_index, W, b):
    # Faithful GCNConv: out = D^{-1/2} (A + I) D^{-1/2} X W + b
    N = x.shape[0]
    loop = jnp.arange(N, dtype=edge_index.dtype)
    src = jnp.concatenate([edge_index[0], loop])
    dst = jnp.concatenate([edge_index[1], loop])
    # linear transform first (in_dim -> out_dim)
    h = x @ W  # [N, OUT_DIM]
    # symmetric normalization with self-loops
    ones = jnp.ones(src.shape[0], dtype=h.dtype)
    deg = jnp.zeros(N, dtype=h.dtype).at[dst].add(ones)  # deg >= 1 due to self-loops
    dinv = jax.lax.rsqrt(deg)
    norm = dinv[src] * dinv[dst]  # [E+N]
    # gather, scale, scatter-add
    msg = h[src] * norm[:, None]
    out = jnp.zeros((N, h.shape[1]), dtype=h.dtype).at[dst].add(msg)
    out = out + b
    return out


if False:  # reference __main__ guard neutralized (emitter)
    inp = setup_inputs()
    out = reference(**inp)
    print(out.shape, out.dtype)

if __name__ == "__main__":
    import jax
    _d = setup_inputs()
    print(jax.jit(kernel)(*tuple(_d.values())))

</pallas_src>

<mosaic_0001>
#map = affine_map<(d0, d1) -> (0, 0)>
#map1 = affine_map<(d0, d1) -> (0, 0, 0)>
module attributes {stable_mosaic.version = 14 : i64} {
  func.func @k(%arg0: i32, %arg1: i32, %arg2: memref<2560x128xi32, #tpu.memory_space<hbm>>, %arg3: memref<2x10240x128xf32, #tpu.memory_space<hbm>>, %arg4: memref<80x128xi32, #tpu.memory_space<vmem>>, %arg5: memref<128x128xf32, #tpu.memory_space<vmem>>, %arg6: memref<64x128xf32, #tpu.memory_space<vmem>>, %arg7: memref<10240x128xf32, #tpu.memory_space<vmem_shared>>, %arg8: memref<!tpu.dma_semaphore, #tpu.memory_space<semaphore_mem>>) attributes {dimension_semantics = [#tpu.dimension_semantics<core_parallel>, #tpu.dimension_semantics<subcore_parallel>], iteration_bounds = array<i64: 2, 16>, scalar_prefetch = 0 : i64, scratch_operands = 5 : i64, tpu.core_type = #tpu.core_type<sc_vector_subcore>, window_params = [{transform_indices = #map}, {transform_indices = #map1}]} {
    %mul3A = arith.constant 2 : i32
    %mul3A_0 = arith.muli %arg1, %mul3A : i32
    %add3A = arith.addi %mul3A_0, %arg0 : i32
    %broadcast_in_dim3A = arith.constant 1.000000e+00 : f32
    %broadcast_in_dim3A_1 = vector.broadcast %broadcast_in_dim3A : f32 to vector<16xf32>
    %scan3A = arith.constant 0 : i32
    %scan3A_2 = arith.constant 128 : i32
    %scan3A_3 = arith.addi %scan3A, %scan3A_2 : i32
    %scan3A_4 = arith.constant 1 : i32
    scf.for %scan3A_28 = %scan3A to %scan3A_3 step %scan3A_4  : i32 {
      %mul3A_29 = arith.constant 1 : i32
      %mul3A_30 = arith.muli %scan3A_28, %mul3A_29 : i32
      %add3A_31 = arith.constant 0 : i32
      %add3A_32 = arith.addi %add3A_31, %mul3A_30 : i32
      %scan3A_33 = arith.constant 0 : i32
      %scan3A_34 = arith.constant 8 : i32
      %scan3A_35 = arith.addi %scan3A_33, %scan3A_34 : i32
      %scan3A_36 = arith.constant 1 : i32
      scf.for %scan3A_38 = %scan3A_33 to %scan3A_35 step %scan3A_36  : i32 {
        %mul3A_39 = arith.constant 1 : i32
        %mul3A_40 = arith.muli %scan3A_38, %mul3A_39 : i32
        %add3A_41 = arith.constant 0 : i32
        %add3A_42 = arith.addi %add3A_41, %mul3A_40 : i32
        %mul3A_43 = arith.constant 16 : i32
        %mul3A_44 = arith.muli %add3A_42, %mul3A_43 : i32
        %swap3A = arith.index_cast %add3A_32 : i32 to index
        %swap3A_45 = arith.index_cast %mul3A_44 : i32 to index
        %swap3A_46 = tpu.vector_load %arg5[%swap3A, %swap3A_45] {strides = array<i32>} : memref<128x128xf32, #tpu.memory_space<vmem>>, vector<1x16xf32>,
        %swap3A_47 = vector.shape_cast %swap3A_46 : vector<1x16xf32> to vector<16xf32>
        %swap3A_48 = vector.shape_cast %broadcast_in_dim3A_1 : vector<16xf32> to vector<1x16xf32>
        tpu.vector_store %arg5[%swap3A, %swap3A_45], %swap3A_48 {strides = array<i32>} : memref<128x128xf32, #tpu.memory_space<vmem>>, vector<1x16xf32>,
      }
      %scan3A_37 = arith.constant 8 : i32
    }
    %scan3A_5 = arith.constant 128 : i32
    %broadcast_in_dim3A_6 = arith.constant 0.000000e+00 : f32
    %broadcast_in_dim3A_7 = vector.broadcast %broadcast_in_dim3A_6 : f32 to vector<16xf32>
    %scan3A_8 = arith.constant 0 : i32
    %scan3A_9 = arith.constant 64 : i32
    %scan3A_10 = arith.addi %scan3A_8, %scan3A_9 : i32
    %scan3A_11 = arith.constant 1 : i32
    scf.for %scan3A_28 = %scan3A_8 to %scan3A_10 step %scan3A_11  : i32 {
      %mul3A_29 = arith.constant 1 : i32
      %mul3A_30 = arith.muli %scan3A_28, %mul3A_29 : i32
      %add3A_31 = arith.constant 0 : i32
      %add3A_32 = arith.addi %add3A_31, %mul3A_30 : i32
      %scan3A_33 = arith.constant 0 : i32
      %scan3A_34 = arith.constant 8 : i32
      %scan3A_35 = arith.addi %scan3A_33, %scan3A_34 : i32
      %scan3A_36 = arith.constant 1 : i32
      scf.for %scan3A_38 = %scan3A_33 to %scan3A_35 step %scan3A_36  : i32 {
        %mul3A_39 = arith.constant 1 : i32
        %mul3A_40 = arith.muli %scan3A_38, %mul3A_39 : i32
        %add3A_41 = arith.constant 0 : i32
        %add3A_42 = arith.addi %add3A_41, %mul3A_40 : i32
        %mul3A_43 = arith.constant 16 : i32
        %mul3A_44 = arith.muli %add3A_42, %mul3A_43 : i32
        %swap3A = arith.index_cast %add3A_32 : i32 to index
        %swap3A_45 = arith.index_cast %mul3A_44 : i32 to index
        %swap3A_46 = tpu.vector_load %arg6[%swap3A, %swap3A_45] {strides = array<i32>} : memref<64x128xf32, #tpu.memory_space<vmem>>, vector<1x16xf32>,
        %swap3A_47 = vector.shape_cast %swap3A_46 : vector<1x16xf32> to vector<16xf32>
        %swap3A_48 = vector.shape_cast %broadcast_in_dim3A_7 : vector<16xf32> to vector<1x16xf32>
        tpu.vector_store %arg6[%swap3A, %swap3A_45], %swap3A_48 {strides = array<i32>} : memref<64x128xf32, #tpu.memory_space<vmem>>, vector<1x16xf32>,
      }
      %scan3A_37 = arith.constant 8 : i32
    }
    %scan3A_12 = arith.constant 64 : i32
    %scan3A_13 = arith.constant 0 : i32
    %scan3A_14 = arith.constant 10 : i32
    %scan3A_15 = arith.addi %scan3A_13, %scan3A_14 : i32
    %scan3A_16 = arith.constant 1 : i32
    scf.for %scan3A_28 = %scan3A_13 to %scan3A_15 step %scan3A_16  : i32 {
      %mul3A_29 = arith.constant 1 : i32
      %mul3A_30 = arith.muli %scan3A_28, %mul3A_29 : i32
      %add3A_31 = arith.constant 0 : i32
      %add3A_32 = arith.addi %add3A_31, %mul3A_30 : i32
      %mul3A_33 = arith.constant 640 : i32
      %mul3A_34 = arith.muli %arg1, %mul3A_33 : i32
      %mul3A_35 = arith.constant 64 : i32
      %mul3A_36 = arith.muli %add3A_32, %mul3A_35 : i32
      %add3A_37 = arith.addi %mul3A_34, %mul3A_36 : i32
      "tpu.region"() ({
        %run_scoped3A = tpu.sem_alloc : memref<!tpu.dma_semaphore, #tpu.memory_space<semaphore_mem>>
        %dma_start3A = arith.constant 0 : i32
        %dma_start3A_38 = tpu.memref_slice %arg7[%add3A_37, %dma_start3A] : memref<10240x128xf32, #tpu.memory_space<vmem_shared>> -> memref<64x128xf32, #tpu.memory_space<vmem_shared>>
        %dma_start3A_39 = arith.constant 0 : i32
        %dma_start3A_40 = tpu.memref_slice %arg7[%add3A_37, %dma_start3A_39] : memref<10240x128xf32, #tpu.memory_space<vmem_shared>> -> memref<64x128xf32, #tpu.memory_space<vmem_shared>>
        tpu.enqueue_dma source(%arg6 : memref<64x128xf32, #tpu.memory_space<vmem>>) target(%dma_start3A_40 : memref<64x128xf32, #tpu.memory_space<vmem_shared>>) target_semaphore(%run_scoped3A : memref<!tpu.dma_semaphore, #tpu.memory_space<semaphore_mem>>)
        %dma_wait3A = arith.constant 0 : i32
        %dma_wait3A_41 = tpu.memref_slice %arg7[%add3A_37, %dma_wait3A] : memref<10240x128xf32, #tpu.memory_space<vmem_shared>> -> memref<64x128xf32, #tpu.memory_space<vmem_shared>>
        %dma_wait3A_42 = arith.constant 0 : i32
        %dma_wait3A_43 = tpu.memref_slice %arg7[%add3A_37, %dma_wait3A_42] : memref<10240x128xf32, #tpu.memory_space<vmem_shared>> -> memref<64x128xf32, #tpu.memory_space<vmem_shared>>
        tpu.wait_dma2 semaphore(%run_scoped3A : memref<!tpu.dma_semaphore, #tpu.memory_space<semaphore_mem>>) src(%arg6 : memref<64x128xf32, #tpu.memory_space<vmem>>) dst(%dma_wait3A_43 : memref<64x128xf32, #tpu.memory_space<vmem_shared>>)
        tpu.yield
      }) : () -> ()
    }
    %scan3A_17 = arith.constant 10 : i32
    %barrier3A = arith.constant 0 : index
    tpu.barrier barrier_id(%barrier3A)
    %mul3A_18 = arith.constant 80 : i32
    %mul3A_19 = arith.muli %add3A, %mul3A_18 : i32
    "tpu.region"() ({
      %run_scoped3A = tpu.sem_alloc : memref<!tpu.dma_semaphore, #tpu.memory_space<semaphore_mem>>
      %dma_start3A = arith.constant 0 : i32
      %dma_start3A_28 = tpu.memref_slice %arg2[%mul3A_19, %dma_start3A] : memref<2560x128xi32, #tpu.memory_space<hbm>> -> memref<80x128xi32, #tpu.memory_space<hbm>>
      %dma_start3A_29 = arith.constant 0 : i32
      %dma_start3A_30 = tpu.memref_slice %arg2[%mul3A_19, %dma_start3A_29] : memref<2560x128xi32, #tpu.memory_space<hbm>> -> memref<80x128xi32, #tpu.memory_space<hbm>>
      tpu.enqueue_dma source(%dma_start3A_30 : memref<80x128xi32, #tpu.memory_space<hbm>>) target(%arg4 : memref<80x128xi32, #tpu.memory_space<vmem>>) target_semaphore(%run_scoped3A : memref<!tpu.dma_semaphore, #tpu.memory_space<semaphore_mem>>)
      %dma_wait3A = arith.constant 0 : i32
      %dma_wait3A_31 = tpu.memref_slice %arg2[%mul3A_19, %dma_wait3A] : memref<2560x128xi32, #tpu.memory_space<hbm>> -> memref<80x128xi32, #tpu.memory_space<hbm>>
      %dma_wait3A_32 = arith.constant 0 : i32
      %dma_wait3A_33 = tpu.memref_slice %arg2[%mul3A_19, %dma_wait3A_32] : memref<2560x128xi32, #tpu.memory_space<hbm>> -> memref<80x128xi32, #tpu.memory_space<hbm>>
      tpu.wait_dma2 semaphore(%run_scoped3A : memref<!tpu.dma_semaphore, #tpu.memory_space<semaphore_mem>>) src(%dma_wait3A_33 : memref<80x128xi32, #tpu.memory_space<hbm>>) dst(%arg4 : memref<80x128xi32, #tpu.memory_space<vmem>>)
      tpu.yield
    }) : () -> ()
    %scan3A_20 = arith.constant 0 : i32
    %scan3A_21 = arith.constant 80 : i32
    %scan3A_22 = arith.addi %scan3A_20, %scan3A_21 : i32
    %scan3A_23 = arith.constant 1 : i32
    scf.for %scan3A_28 = %scan3A_20 to %scan3A_22 step %scan3A_23  : i32 {
      %mul3A_29 = arith.constant 1 : i32
      %mul3A_30 = arith.muli %scan3A_28, %mul3A_29 : i32
      %add3A_31 = arith.constant 0 : i32
      %add3A_32 = arith.addi %add3A_31, %mul3A_30 : i32
      "tpu.region"() ({
        %run_scoped3A = tpu.sem_alloc : memref<!tpu.dma_semaphore, #tpu.memory_space<semaphore_mem>>
        %dma_start3A = arith.constant 0 : i32
        %dma_start3A_33 = tpu.memref_slice %arg4[%add3A_32, %dma_start3A] : memref<80x128xi32, #tpu.memory_space<vmem>> -> memref<1x128xi32, #tpu.memory_space<vmem>>
        %dma_start3A_34 = tpu.memref_squeeze %dma_start3A_33 : memref<1x128xi32, #tpu.memory_space<vmem>> -> memref<128xi32, #tpu.memory_space<vmem>>
        %dma_start3A_35 = arith.constant 0 : i32
        %dma_start3A_36 = arith.constant 0 : i32
        %dma_start3A_37 = tpu.memref_slice %arg7[%dma_start3A_35, %dma_start3A_36] : memref<10240x128xf32, #tpu.memory_space<vmem_shared>> -> memref<10240x128xf32, #tpu.memory_space<vmem_shared>>
        tpu.enqueue_indirect_dma source(%arg5 : memref<128x128xf32, #tpu.memory_space<vmem>>) target(%dma_start3A_37 : memref<10240x128xf32, #tpu.memory_space<vmem_shared>>) offsets(%dma_start3A_34 : memref<128xi32, #tpu.memory_space<vmem>>) semaphore(%run_scoped3A : memref<!tpu.dma_semaphore, #tpu.memory_space<semaphore_mem>>) {add = true}
        %dma_wait3A = arith.constant 0 : i32
        %dma_wait3A_38 = tpu.memref_slice %arg4[%add3A_32, %dma_wait3A] : memref<80x128xi32, #tpu.memory_space<vmem>> -> memref<1x128xi32, #tpu.memory_space<vmem>>
        %dma_wait3A_39 = tpu.memref_squeeze %dma_wait3A_38 : memref<1x128xi32, #tpu.memory_space<vmem>> -> memref<128xi32, #tpu.memory_space<vmem>>
        %dma_wait3A_40 = arith.constant 0 : i32
        %dma_wait3A_41 = arith.constant 0 : i32
        %dma_wait3A_42 = tpu.memref_slice %arg7[%dma_wait3A_40, %dma_wait3A_41] : memref<10240x128xf32, #tpu.memory_space<vmem_shared>> -> memref<10240x128xf32, #tpu.memory_space<vmem_shared>>
        tpu.wait_indirect_dma semaphore(%run_scoped3A : memref<!tpu.dma_semaphore, #tpu.memory_space<semaphore_mem>>) src(%arg5 : memref<128x128xf32, #tpu.memory_space<vmem>>) dst(%dma_wait3A_42 : memref<10240x128xf32, #tpu.memory_space<vmem_shared>>)
        tpu.yield
      }) : () -> ()
    }
    %scan3A_24 = arith.constant 80 : i32
    %barrier3A_25 = arith.constant 0 : index
    tpu.barrier barrier_id(%barrier3A_25)
    %mul3A_26 = arith.constant 640 : i32
    %mul3A_27 = arith.muli %arg1, %mul3A_26 : i32
    "tpu.region"() ({
      %run_scoped3A = tpu.sem_alloc : memref<!tpu.dma_semaphore, #tpu.memory_space<semaphore_mem>>
      %dma_start3A = arith.constant 0 : i32
      %dma_start3A_28 = tpu.memref_slice %arg3[%arg0, %mul3A_27, %dma_start3A] : memref<2x10240x128xf32, #tpu.memory_space<hbm>> -> memref<1x640x128xf32, #tpu.memory_space<hbm>>
      %dma_start3A_29 = tpu.memref_squeeze %dma_start3A_28 : memref<1x640x128xf32, #tpu.memory_space<hbm>> -> memref<640x128xf32, #tpu.memory_space<hbm>>
      %dma_start3A_30 = arith.constant 0 : i32
      %dma_start3A_31 = tpu.memref_slice %arg7[%mul3A_27, %dma_start3A_30] : memref<10240x128xf32, #tpu.memory_space<vmem_shared>> -> memref<640x128xf32, #tpu.memory_space<vmem_shared>>
      tpu.enqueue_dma source(%dma_start3A_31 : memref<640x128xf32, #tpu.memory_space<vmem_shared>>) target(%dma_start3A_29 : memref<640x128xf32, #tpu.memory_space<hbm>>) target_semaphore(%run_scoped3A : memref<!tpu.dma_semaphore, #tpu.memory_space<semaphore_mem>>)
      %dma_wait3A = arith.constant 0 : i32
      %dma_wait3A_32 = tpu.memref_slice %arg3[%arg0, %mul3A_27, %dma_wait3A] : memref<2x10240x128xf32, #tpu.memory_space<hbm>> -> memref<1x640x128xf32, #tpu.memory_space<hbm>>
      %dma_wait3A_33 = tpu.memref_squeeze %dma_wait3A_32 : memref<1x640x128xf32, #tpu.memory_space<hbm>> -> memref<640x128xf32, #tpu.memory_space<hbm>>
      %dma_wait3A_34 = arith.constant 0 : i32
      %dma_wait3A_35 = tpu.memref_slice %arg7[%mul3A_27, %dma_wait3A_34] : memref<10240x128xf32, #tpu.memory_space<vmem_shared>> -> memref<640x128xf32, #tpu.memory_space<vmem_shared>>
      tpu.wait_dma2 semaphore(%run_scoped3A : memref<!tpu.dma_semaphore, #tpu.memory_space<semaphore_mem>>) src(%dma_wait3A_35 : memref<640x128xf32, #tpu.memory_space<vmem_shared>>) dst(%dma_wait3A_33 : memref<640x128xf32, #tpu.memory_space<hbm>>)
      tpu.yield
    }) : () -> ()
    return
  }
}

#map = affine_map<(d0, d1) -> (0, 0)>
#map1 = affine_map<(d0, d1) -> (0, 0, 0)>
module attributes {stable_mosaic.version = 14 : i64} {
  func.func @k(%arg0: i32, %arg1: i32, %arg2: memref<10000x128xf32, #tpu.memory_space<hbm>>, %arg3: memref<2560x128xi32, #tpu.memory_space<hbm>>, %arg4: memref<2560x128xi32, #tpu.memory_space<hbm>>, %arg5: memref<2x10240x128xf32, #tpu.memory_space<hbm>>, %arg6: memref<8x128xi32, #tpu.memory_space<vmem>>, %arg7: memref<8x128xi32, #tpu.memory_space<vmem>>, %arg8: memref<128x128xf32, #tpu.memory_space<vmem>>, %arg9: memref<128x128xf32, #tpu.memory_space<vmem>>, %arg10: memref<16x128xf32, #tpu.memory_space<vmem>>, %arg11: memref<10240x128xf32, #tpu.memory_space<vmem_shared>>, %arg12: memref<!tpu.dma_semaphore, #tpu.memory_space<semaphore_mem>>, %arg13: memref<!tpu.dma_semaphore, #tpu.memory_space<semaphore_mem>>, %arg14: memref<!tpu.dma_semaphore, #tpu.memory_space<semaphore_mem>>) attributes {dimension_semantics = [#tpu.dimension_semantics<core_parallel>, #tpu.dimension_semantics<subcore_parallel>], iteration_bounds = array<i64: 2, 16>, scalar_prefetch = 0 : i64, scratch_operands = 9 : i64, tpu.core_type = #tpu.core_type<sc_vector_subcore>, window_params = [{transform_indices = #map}, {transform_indices = #map}, {transform_indices = #map}, {transform_indices = #map1}]} {
    %broadcast_in_dim3A = arith.constant 0.000000e+00 : f32
    %broadcast_in_dim3A_0 = vector.broadcast %broadcast_in_dim3A : f32 to vector<16xf32>
    %scan3A = arith.constant 0 : i32
    %scan3A_1 = arith.constant 16 : i32
    %scan3A_2 = arith.addi %scan3A, %scan3A_1 : i32
    %scan3A_3 = arith.constant 1 : i32
    scf.for %scan3A_19 = %scan3A to %scan3A_2 step %scan3A_3  : i32 {
      %mul3A_20 = arith.constant 1 : i32
      %mul3A_21 = arith.muli %scan3A_19, %mul3A_20 : i32
      %add3A = arith.constant 0 : i32
      %add3A_22 = arith.addi %add3A, %mul3A_21 : i32
      %scan3A_23 = arith.constant 0 : i32
      %scan3A_24 = arith.constant 8 : i32
      %scan3A_25 = arith.addi %scan3A_23, %scan3A_24 : i32
      %scan3A_26 = arith.constant 1 : i32
      scf.for %scan3A_28 = %scan3A_23 to %scan3A_25 step %scan3A_26  : i32 {
        %mul3A_29 = arith.constant 1 : i32
        %mul3A_30 = arith.muli %scan3A_28, %mul3A_29 : i32
        %add3A_31 = arith.constant 0 : i32
        %add3A_32 = arith.addi %add3A_31, %mul3A_30 : i32
        %mul3A_33 = arith.constant 16 : i32
        %mul3A_34 = arith.muli %add3A_32, %mul3A_33 : i32
        %swap3A = arith.index_cast %add3A_22 : i32 to index
        %swap3A_35 = arith.index_cast %mul3A_34 : i32 to index
        %swap3A_36 = tpu.vector_load %arg10[%swap3A, %swap3A_35] {strides = array<i32>} : memref<16x128xf32, #tpu.memory_space<vmem>>, vector<1x16xf32>,
        %swap3A_37 = vector.shape_cast %swap3A_36 : vector<1x16xf32> to vector<16xf32>
        %swap3A_38 = vector.shape_cast %broadcast_in_dim3A_0 : vector<16xf32> to vector<1x16xf32>
        tpu.vector_store %arg10[%swap3A, %swap3A_35], %swap3A_38 {strides = array<i32>} : memref<16x128xf32, #tpu.memory_space<vmem>>, vector<1x16xf32>,
      }
      %scan3A_27 = arith.constant 8 : i32
    }
    %scan3A_4 = arith.constant 16 : i32
    %scan3A_5 = arith.constant 0 : i32
    %scan3A_6 = arith.constant 40 : i32
    %scan3A_7 = arith.addi %scan3A_5, %scan3A_6 : i32
    %scan3A_8 = arith.constant 1 : i32
    scf.for %scan3A_19 = %scan3A_5 to %scan3A_7 step %scan3A_8  : i32 {
      %mul3A_20 = arith.constant 1 : i32
      %mul3A_21 = arith.muli %scan3A_19, %mul3A_20 : i32
      %add3A = arith.constant 0 : i32
      %add3A_22 = arith.addi %add3A, %mul3A_21 : i32
      %mul3A_23 = arith.constant 640 : i32
      %mul3A_24 = arith.muli %arg1, %mul3A_23 : i32
      %mul3A_25 = arith.constant 16 : i32
      %mul3A_26 = arith.muli %add3A_22, %mul3A_25 : i32
      %add3A_27 = arith.addi %mul3A_24, %mul3A_26 : i32
      "tpu.region"() ({
        %run_scoped3A = tpu.sem_alloc : memref<!tpu.dma_semaphore, #tpu.memory_space<semaphore_mem>>
        %dma_start3A = arith.constant 0 : i32
        %dma_start3A_28 = tpu.memref_slice %arg11[%add3A_27, %dma_start3A] : memref<10240x128xf32, #tpu.memory_space<vmem_shared>> -> memref<16x128xf32, #tpu.memory_space<vmem_shared>>
        %dma_start3A_29 = arith.constant 0 : i32
        %dma_start3A_30 = tpu.memref_slice %arg11[%add3A_27, %dma_start3A_29] : memref<10240x128xf32, #tpu.memory_space<vmem_shared>> -> memref<16x128xf32, #tpu.memory_space<vmem_shared>>
        tpu.enqueue_dma source(%arg10 : memref<16x128xf32, #tpu.memory_space<vmem>>) target(%dma_start3A_30 : memref<16x128xf32, #tpu.memory_space<vmem_shared>>) target_semaphore(%run_scoped3A : memref<!tpu.dma_semaphore, #tpu.memory_space<semaphore_mem>>)
        %dma_wait3A = arith.constant 0 : i32
        %dma_wait3A_31 = tpu.memref_slice %arg11[%add3A_27, %dma_wait3A] : memref<10240x128xf32, #tpu.memory_space<vmem_shared>> -> memref<16x128xf32, #tpu.memory_space<vmem_shared>>
        %dma_wait3A_32 = arith.constant 0 : i32
        %dma_wait3A_33 = tpu.memref_slice %arg11[%add3A_27, %dma_wait3A_32] : memref<10240x128xf32, #tpu.memory_space<vmem_shared>> -> memref<16x128xf32, #tpu.memory_space<vmem_shared>>
        tpu.wait_dma2 semaphore(%run_scoped3A : memref<!tpu.dma_semaphore, #tpu.memory_space<semaphore_mem>>) src(%arg10 : memref<16x128xf32, #tpu.memory_space<vmem>>) dst(%dma_wait3A_33 : memref<16x128xf32, #tpu.memory_space<vmem_shared>>)
        tpu.yield
      }) : () -> ()
    }
    %scan3A_9 = arith.constant 40 : i32
    %barrier3A = arith.constant 0 : index
    tpu.barrier barrier_id(%barrier3A)
    %eq3A = arith.constant 0 : i32
    %eq3A_10 = arith.cmpi eq, %arg0, %eq3A : i32
    %convert_element_type3A = arith.extui %eq3A_10 : i1 to i32
    %cond3A = arith.constant 0 : i32
    %cond3A_11 = arith.cmpi ne, %convert_element_type3A, %cond3A : i32
    scf.if %cond3A_11 {
      %mul3A_19 = arith.constant 152 : i32
      %mul3A_20 = arith.muli %arg1, %mul3A_19 : i32
      %scan3A_21 = arith.constant 0 : i32
      %scan3A_22 = arith.constant 19 : i32
      %scan3A_23 = arith.addi %scan3A_21, %scan3A_22 : i32
      %scan3A_24 = arith.constant 1 : i32
      scf.for %scan3A_26 = %scan3A_21 to %scan3A_23 step %scan3A_24  : i32 {
        %mul3A_27 = arith.constant 1 : i32
        %mul3A_28 = arith.muli %scan3A_26, %mul3A_27 : i32
        %add3A = arith.constant 0 : i32
        %add3A_29 = arith.addi %add3A, %mul3A_28 : i32
        %mul3A_30 = arith.constant 8 : i32
        %mul3A_31 = arith.muli %add3A_29, %mul3A_30 : i32
        %add3A_32 = arith.addi %mul3A_20, %mul3A_31 : i32
        "tpu.region"() ({
          %run_scoped3A = tpu.sem_alloc : memref<!tpu.dma_semaphore, #tpu.memory_space<semaphore_mem>>
          %dma_start3A_51 = arith.constant 0 : i32
          %dma_start3A_52 = tpu.memref_slice %arg3[%add3A_32, %dma_start3A_51] : memref<2560x128xi32, #tpu.memory_space<hbm>> -> memref<8x128xi32, #tpu.memory_space<hbm>>
          %dma_start3A_53 = arith.constant 0 : i32
          %dma_start3A_54 = tpu.memref_slice %arg3[%add3A_32, %dma_start3A_53] : memref<2560x128xi32, #tpu.memory_space<hbm>> -> memref<8x128xi32, #tpu.memory_space<hbm>>
          tpu.enqueue_dma source(%dma_start3A_54 : memref<8x128xi32, #tpu.memory_space<hbm>>) target(%arg6 : memref<8x128xi32, #tpu.memory_space<vmem>>) target_semaphore(%run_scoped3A : memref<!tpu.dma_semaphore, #tpu.memory_space<semaphore_mem>>)
          %dma_wait3A = arith.constant 0 : i32
          %dma_wait3A_55 = tpu.memref_slice %arg3[%add3A_32, %dma_wait3A] : memref<2560x128xi32, #tpu.memory_space<hbm>> -> memref<8x128xi32, #tpu.memory_space<hbm>>
          %dma_wait3A_56 = arith.constant 0 : i32
          %dma_wait3A_57 = tpu.memref_slice %arg3[%add3A_32, %dma_wait3A_56] : memref<2560x128xi32, #tpu.memory_space<hbm>> -> memref<8x128xi32, #tpu.memory_space<hbm>>
          tpu.wait_dma2 semaphore(%run_scoped3A : memref<!tpu.dma_semaphore, #tpu.memory_space<semaphore_mem>>) src(%dma_wait3A_57 : memref<8x128xi32, #tpu.memory_space<hbm>>) dst(%arg6 : memref<8x128xi32, #tpu.memory_space<vmem>>)
          tpu.yield
        }) : () -> ()
        "tpu.region"() ({
          %run_scoped3A = tpu.sem_alloc : memref<!tpu.dma_semaphore, #tpu.memory_space<semaphore_mem>>
          %dma_start3A_51 = arith.constant 0 : i32
          %dma_start3A_52 = tpu.memref_slice %arg4[%add3A_32, %dma_start3A_51] : memref<2560x128xi32, #tpu.memory_space<hbm>> -> memref<8x128xi32, #tpu.memory_space<hbm>>
          %dma_start3A_53 = arith.constant 0 : i32
          %dma_start3A_54 = tpu.memref_slice %arg4[%add3A_32, %dma_start3A_53] : memref<2560x128xi32, #tpu.memory_space<hbm>> -> memref<8x128xi32, #tpu.memory_space<hbm>>
          tpu.enqueue_dma source(%dma_start3A_54 : memref<8x128xi32, #tpu.memory_space<hbm>>) target(%arg7 : memref<8x128xi32, #tpu.memory_space<vmem>>) target_semaphore(%run_scoped3A : memref<!tpu.dma_semaphore, #tpu.memory_space<semaphore_mem>>)
          %dma_wait3A = arith.constant 0 : i32
          %dma_wait3A_55 = tpu.memref_slice %arg4[%add3A_32, %dma_wait3A] : memref<2560x128xi32, #tpu.memory_space<hbm>> -> memref<8x128xi32, #tpu.memory_space<hbm>>
          %dma_wait3A_56 = arith.constant 0 : i32
          %dma_wait3A_57 = tpu.memref_slice %arg4[%add3A_32, %dma_wait3A_56] : memref<2560x128xi32, #tpu.memory_space<hbm>> -> memref<8x128xi32, #tpu.memory_space<hbm>>
          tpu.wait_dma2 semaphore(%run_scoped3A : memref<!tpu.dma_semaphore, #tpu.memory_space<semaphore_mem>>) src(%dma_wait3A_57 : memref<8x128xi32, #tpu.memory_space<hbm>>) dst(%arg7 : memref<8x128xi32, #tpu.memory_space<vmem>>)
          tpu.yield
        }) : () -> ()
        %dma_start3A = arith.constant 0 : i32
        %dma_start3A_33 = arith.constant 0 : i32
        %dma_start3A_34 = tpu.memref_slice %arg6[%dma_start3A, %dma_start3A_33] : memref<8x128xi32, #tpu.memory_space<vmem>> -> memref<1x128xi32, #tpu.memory_space<vmem>>
        %dma_start3A_35 = tpu.memref_squeeze %dma_start3A_34 : memref<1x128xi32, #tpu.memory_space<vmem>> -> memref<128xi32, #tpu.memory_space<vmem>>
        %dma_start3A_36 = arith.constant 0 : i32
        %dma_start3A_37 = arith.constant 0 : i32
        %dma_start3A_38 = tpu.memref_slice %arg2[%dma_start3A_36, %dma_start3A_37] : memref<10000x128xf32, #tpu.memory_space<hbm>> -> memref<10000x128xf32, #tpu.memory_space<hbm>>
        tpu.enqueue_indirect_dma source(%dma_start3A_38 : memref<10000x128xf32, #tpu.memory_space<hbm>>) target(%arg8 : memref<128x128xf32, #tpu.memory_space<vmem>>) offsets(%dma_start3A_35 : memref<128xi32, #tpu.memory_space<vmem>>) semaphore(%arg12 : memref<!tpu.dma_semaphore, #tpu.memory_space<semaphore_mem>>)
        %dma_start3A_39 = arith.constant 1 : i32
        %dma_start3A_40 = arith.constant 0 : i32
        %dma_start3A_41 = tpu.memref_slice %arg6[%dma_start3A_39, %dma_start3A_40] : memref<8x128xi32, #tpu.memory_space<vmem>> -> memref<1x128xi32, #tpu.memory_space<vmem>>
        %dma_start3A_42 = tpu.memref_squeeze %dma_start3A_41 : memref<1x128xi32, #tpu.memory_space<vmem>> -> memref<128xi32, #tpu.memory_space<vmem>>
        %dma_start3A_43 = arith.constant 0 : i32
        %dma_start3A_44 = arith.constant 0 : i32
        %dma_start3A_45 = tpu.memref_slice %arg2[%dma_start3A_43, %dma_start3A_44] : memref<10000x128xf32, #tpu.memory_space<hbm>> -> memref<10000x128xf32, #tpu.memory_space<hbm>>
        tpu.enqueue_indirect_dma source(%dma_start3A_45 : memref<10000x128xf32, #tpu.memory_space<hbm>>) target(%arg9 : memref<128x128xf32, #tpu.memory_space<vmem>>) offsets(%dma_start3A_42 : memref<128xi32, #tpu.memory_space<vmem>>) semaphore(%arg13 : memref<!tpu.dma_semaphore, #tpu.memory_space<semaphore_mem>>)
        %scan3A_46 = arith.constant 0 : i32
        %scan3A_47 = arith.constant 4 : i32
        %scan3A_48 = arith.addi %scan3A_46, %scan3A_47 : i32
        %scan3A_49 = arith.constant 1 : i32
        scf.for %scan3A_51 = %scan3A_46 to %scan3A_48 step %scan3A_49  : i32 {
          %mul3A_52 = arith.constant 1 : i32
          %mul3A_53 = arith.muli %scan3A_51, %mul3A_52 : i32
          %add3A_54 = arith.constant 0 : i32
          %add3A_55 = arith.addi %add3A_54, %mul3A_53 : i32
          %mul3A_56 = arith.constant 2 : i32
          %mul3A_57 = arith.muli %mul3A_56, %add3A_55 : i32
          %add3A_58 = arith.constant 1 : i32
          %add3A_59 = arith.addi %mul3A_57, %add3A_58 : i32
          %dma_wait3A = arith.constant 0 : i32
          %dma_wait3A_60 = tpu.memref_slice %arg6[%mul3A_57, %dma_wait3A] : memref<8x128xi32, #tpu.memory_space<vmem>> -> memref<1x128xi32, #tpu.memory_space<vmem>>
          %dma_wait3A_61 = tpu.memref_squeeze %dma_wait3A_60 : memref<1x128xi32, #tpu.memory_space<vmem>> -> memref<128xi32, #tpu.memory_space<vmem>>
          %dma_wait3A_62 = arith.constant 0 : i32
          %dma_wait3A_63 = arith.constant 0 : i32
          %dma_wait3A_64 = tpu.memref_slice %arg2[%dma_wait3A_62, %dma_wait3A_63] : memref<10000x128xf32, #tpu.memory_space<hbm>> -> memref<10000x128xf32, #tpu.memory_space<hbm>>
          tpu.wait_indirect_dma semaphore(%arg12 : memref<!tpu.dma_semaphore, #tpu.memory_space<semaphore_mem>>) src(%dma_wait3A_64 : memref<10000x128xf32, #tpu.memory_space<hbm>>) dst(%arg8 : memref<128x128xf32, #tpu.memory_space<vmem>>)
          %dma_start3A_65 = arith.constant 0 : i32
          %dma_start3A_66 = tpu.memref_slice %arg7[%mul3A_57, %dma_start3A_65] : memref<8x128xi32, #tpu.memory_space<vmem>> -> memref<1x128xi32, #tpu.memory_space<vmem>>
          %dma_start3A_67 = tpu.memref_squeeze %dma_start3A_66 : memref<1x128xi32, #tpu.memory_space<vmem>> -> memref<128xi32, #tpu.memory_space<vmem>>
          %dma_start3A_68 = arith.constant 0 : i32
          %dma_start3A_69 = arith.constant 0 : i32
          %dma_start3A_70 = tpu.memref_slice %arg11[%dma_start3A_68, %dma_start3A_69] : memref<10240x128xf32, #tpu.memory_space<vmem_shared>> -> memref<10240x128xf32, #tpu.memory_space<vmem_shared>>
          tpu.enqueue_indirect_dma source(%arg8 : memref<128x128xf32, #tpu.memory_space<vmem>>) target(%dma_start3A_70 : memref<10240x128xf32, #tpu.memory_space<vmem_shared>>) offsets(%dma_start3A_67 : memref<128xi32, #tpu.memory_space<vmem>>) semaphore(%arg14 : memref<!tpu.dma_semaphore, #tpu.memory_space<semaphore_mem>>) {add = true}
          %dma_wait3A_71 = arith.constant 0 : i32
          %dma_wait3A_72 = tpu.memref_slice %arg6[%add3A_59, %dma_wait3A_71] : memref<8x128xi32, #tpu.memory_space<vmem>> -> memref<1x128xi32, #tpu.memory_space<vmem>>
          %dma_wait3A_73 = tpu.memref_squeeze %dma_wait3A_72 : memref<1x128xi32, #tpu.memory_space<vmem>> -> memref<128xi32, #tpu.memory_space<vmem>>
          %dma_wait3A_74 = arith.constant 0 : i32
          %dma_wait3A_75 = arith.constant 0 : i32
          %dma_wait3A_76 = tpu.memref_slice %arg2[%dma_wait3A_74, %dma_wait3A_75] : memref<10000x128xf32, #tpu.memory_space<hbm>> -> memref<10000x128xf32, #tpu.memory_space<hbm>>
          tpu.wait_indirect_dma semaphore(%arg13 : memref<!tpu.dma_semaphore, #tpu.memory_space<semaphore_mem>>) src(%dma_wait3A_76 : memref<10000x128xf32, #tpu.memory_space<hbm>>) dst(%arg9 : memref<128x128xf32, #tpu.memory_space<vmem>>)
          %dma_start3A_77 = arith.constant 0 : i32
          %dma_start3A_78 = tpu.memref_slice %arg7[%add3A_59, %dma_start3A_77] : memref<8x128xi32, #tpu.memory_space<vmem>> -> memref<1x128xi32, #tpu.memory_space<vmem>>
          %dma_start3A_79 = tpu.memref_squeeze %dma_start3A_78 : memref<1x128xi32, #tpu.memory_space<vmem>> -> memref<128xi32, #tpu.memory_space<vmem>>
          %dma_start3A_80 = arith.constant 0 : i32
          %dma_start3A_81 = arith.constant 0 : i32
          %dma_start3A_82 = tpu.memref_slice %arg11[%dma_start3A_80, %dma_start3A_81] : memref<10240x128xf32, #tpu.memory_space<vmem_shared>> -> memref<10240x128xf32, #tpu.memory_space<vmem_shared>>
          tpu.enqueue_indirect_dma source(%arg9 : memref<128x128xf32, #tpu.memory_space<vmem>>) target(%dma_start3A_82 : memref<10240x128xf32, #tpu.memory_space<vmem_shared>>) offsets(%dma_start3A_79 : memref<128xi32, #tpu.memory_space<vmem>>) semaphore(%arg14 : memref<!tpu.dma_semaphore, #tpu.memory_space<semaphore_mem>>) {add = true}
          %dma_wait3A_83 = arith.constant 0 : i32
          %dma_wait3A_84 = tpu.memref_slice %arg7[%mul3A_57, %dma_wait3A_83] : memref<8x128xi32, #tpu.memory_space<vmem>> -> memref<1x128xi32, #tpu.memory_space<vmem>>
          %dma_wait3A_85 = tpu.memref_squeeze %dma_wait3A_84 : memref<1x128xi32, #tpu.memory_space<vmem>> -> memref<128xi32, #tpu.memory_space<vmem>>
          %dma_wait3A_86 = arith.constant 0 : i32
          %dma_wait3A_87 = arith.constant 0 : i32
          %dma_wait3A_88 = tpu.memref_slice %arg11[%dma_wait3A_86, %dma_wait3A_87] : memref<10240x128xf32, #tpu.memory_space<vmem_shared>> -> memref<10240x128xf32, #tpu.memory_space<vmem_shared>>
          tpu.wait_indirect_dma semaphore(%arg14 : memref<!tpu.dma_semaphore, #tpu.memory_space<semaphore_mem>>) src(%arg8 : memref<128x128xf32, #tpu.memory_space<vmem>>) dst(%dma_wait3A_88 : memref<10240x128xf32, #tpu.memory_space<vmem_shared>>)
          %dma_wait3A_89 = arith.constant 0 : i32
          %dma_wait3A_90 = tpu.memref_slice %arg7[%add3A_59, %dma_wait3A_89] : memref<8x128xi32, #tpu.memory_space<vmem>> -> memref<1x128xi32, #tpu.memory_space<vmem>>
          %dma_wait3A_91 = tpu.memref_squeeze %dma_wait3A_90 : memref<1x128xi32, #tpu.memory_space<vmem>> -> memref<128xi32, #tpu.memory_space<vmem>>
          %dma_wait3A_92 = arith.constant 0 : i32
          %dma_wait3A_93 = arith.constant 0 : i32
          %dma_wait3A_94 = tpu.memref_slice %arg11[%dma_wait3A_92, %dma_wait3A_93] : memref<10240x128xf32, #tpu.memory_space<vmem_shared>> -> memref<10240x128xf32, #tpu.memory_space<vmem_shared>>
          tpu.wait_indirect_dma semaphore(%arg14 : memref<!tpu.dma_semaphore, #tpu.memory_space<semaphore_mem>>) src(%arg9 : memref<128x128xf32, #tpu.memory_space<vmem>>) dst(%dma_wait3A_94 : memref<10240x128xf32, #tpu.memory_space<vmem_shared>>)
          %add3A_95 = arith.constant 2 : i32
          %add3A_96 = arith.addi %mul3A_57, %add3A_95 : i32
          %lt3A = arith.constant 8 : i32
          %lt3A_97 = arith.cmpi slt, %add3A_96, %lt3A : i32
          %convert_element_type3A_98 = arith.extui %lt3A_97 : i1 to i32
          %cond3A_99 = arith.constant 0 : i32
          %cond3A_100 = arith.cmpi ne, %convert_element_type3A_98, %cond3A_99 : i32
          scf.if %cond3A_100 {
            %add3A_101 = arith.constant 2 : i32
            %add3A_102 = arith.addi %mul3A_57, %add3A_101 : i32
            %dma_start3A_103 = arith.constant 0 : i32
            %dma_start3A_104 = tpu.memref_slice %arg6[%add3A_102, %dma_start3A_103] : memref<8x128xi32, #tpu.memory_space<vmem>> -> memref<1x128xi32, #tpu.memory_space<vmem>>
            %dma_start3A_105 = tpu.memref_squeeze %dma_start3A_104 : memref<1x128xi32, #tpu.memory_space<vmem>> -> memref<128xi32, #tpu.memory_space<vmem>>
            %dma_start3A_106 = arith.constant 0 : i32
            %dma_start3A_107 = arith.constant 0 : i32
            %dma_start3A_108 = tpu.memref_slice %arg2[%dma_start3A_106, %dma_start3A_107] : memref<10000x128xf32, #tpu.memory_space<hbm>> -> memref<10000x128xf32, #tpu.memory_space<hbm>>
            tpu.enqueue_indirect_dma source(%dma_start3A_108 : memref<10000x128xf32, #tpu.memory_space<hbm>>) target(%arg8 : memref<128x128xf32, #tpu.memory_space<vmem>>) offsets(%dma_start3A_105 : memref<128xi32, #tpu.memory_space<vmem>>) semaphore(%arg12 : memref<!tpu.dma_semaphore, #tpu.memory_space<semaphore_mem>>)
            %add3A_109 = arith.constant 2 : i32
            %add3A_110 = arith.addi %add3A_59, %add3A_109 : i32
            %dma_start3A_111 = arith.constant 0 : i32
            %dma_start3A_112 = tpu.memref_slice %arg6[%add3A_110, %dma_start3A_111] : memref<8x128xi32, #tpu.memory_space<vmem>> -> memref<1x128xi32, #tpu.memory_space<vmem>>
            %dma_start3A_113 = tpu.memref_squeeze %dma_start3A_112 : memref<1x128xi32, #tpu.memory_space<vmem>> -> memref<128xi32, #tpu.memory_space<vmem>>
            %dma_start3A_114 = arith.constant 0 : i32
            %dma_start3A_115 = arith.constant 0 : i32
            %dma_start3A_116 = tpu.memref_slice %arg2[%dma_start3A_114, %dma_start3A_115] : memref<10000x128xf32, #tpu.memory_space<hbm>> -> memref<10000x128xf32, #tpu.memory_space<hbm>>
            tpu.enqueue_indirect_dma source(%dma_start3A_116 : memref<10000x128xf32, #tpu.memory_space<hbm>>) target(%arg9 : memref<128x128xf32, #tpu.memory_space<vmem>>) offsets(%dma_start3A_113 : memref<128xi32, #tpu.memory_space<vmem>>) semaphore(%arg13 : memref<!tpu.dma_semaphore, #tpu.memory_space<semaphore_mem>>)
          } else {
          }
        }
        %scan3A_50 = arith.constant 4 : i32
      }
      %scan3A_25 = arith.constant 19 : i32
    } else {
    }
    %eq3A_12 = arith.constant 1 : i32
    %eq3A_13 = arith.cmpi eq, %arg0, %eq3A_12 : i32
    %convert_element_type3A_14 = arith.extui %eq3A_13 : i1 to i32
    %cond3A_15 = arith.constant 0 : i32
    %cond3A_16 = arith.cmpi ne, %convert_element_type3A_14, %cond3A_15 : i32
    scf.if %cond3A_16 {
      %mul3A_19 = arith.constant 8 : i32
      %mul3A_20 = arith.muli %arg1, %mul3A_19 : i32
      %add3A = arith.constant 2432 : i32
      %add3A_21 = arith.addi %add3A, %mul3A_20 : i32
      %scan3A_22 = arith.constant 0 : i32
      %mul3A_23 = arith.constant 1 : i32
      %mul3A_24 = arith.muli %scan3A_22, %mul3A_23 : i32
      %add3A_25 = arith.constant 0 : i32
      %add3A_26 = arith.addi %add3A_25, %mul3A_24 : i32
      %mul3A_27 = arith.constant 8 : i32
      %mul3A_28 = arith.muli %add3A_26, %mul3A_27 : i32
      %add3A_29 = arith.addi %add3A_21, %mul3A_28 : i32
      "tpu.region"() ({
        %run_scoped3A = tpu.sem_alloc : memref<!tpu.dma_semaphore, #tpu.memory_space<semaphore_mem>>
        %dma_start3A_49 = arith.constant 0 : i32
        %dma_start3A_50 = tpu.memref_slice %arg3[%add3A_29, %dma_start3A_49] : memref<2560x128xi32, #tpu.memory_space<hbm>> -> memref<8x128xi32, #tpu.memory_space<hbm>>
        %dma_start3A_51 = arith.constant 0 : i32
        %dma_start3A_52 = tpu.memref_slice %arg3[%add3A_29, %dma_start3A_51] : memref<2560x128xi32, #tpu.memory_space<hbm>> -> memref<8x128xi32, #tpu.memory_space<hbm>>
        tpu.enqueue_dma source(%dma_start3A_52 : memref<8x128xi32, #tpu.memory_space<hbm>>) target(%arg6 : memref<8x128xi32, #tpu.memory_space<vmem>>) target_semaphore(%run_scoped3A : memref<!tpu.dma_semaphore, #tpu.memory_space<semaphore_mem>>)
        %dma_wait3A = arith.constant 0 : i32
        %dma_wait3A_53 = tpu.memref_slice %arg3[%add3A_29, %dma_wait3A] : memref<2560x128xi32, #tpu.memory_space<hbm>> -> memref<8x128xi32, #tpu.memory_space<hbm>>
        %dma_wait3A_54 = arith.constant 0 : i32
        %dma_wait3A_55 = tpu.memref_slice %arg3[%add3A_29, %dma_wait3A_54] : memref<2560x128xi32, #tpu.memory_space<hbm>> -> memref<8x128xi32, #tpu.memory_space<hbm>>
        tpu.wait_dma2 semaphore(%run_scoped3A : memref<!tpu.dma_semaphore, #tpu.memory_space<semaphore_mem>>) src(%dma_wait3A_55 : memref<8x128xi32, #tpu.memory_space<hbm>>) dst(%arg6 : memref<8x128xi32, #tpu.memory_space<vmem>>)
        tpu.yield
      }) : () -> ()
      "tpu.region"() ({
        %run_scoped3A = tpu.sem_alloc : memref<!tpu.dma_semaphore, #tpu.memory_space<semaphore_mem>>
        %dma_start3A_49 = arith.constant 0 : i32
        %dma_start3A_50 = tpu.memref_slice %arg4[%add3A_29, %dma_start3A_49] : memref<2560x128xi32, #tpu.memory_space<hbm>> -> memref<8x128xi32, #tpu.memory_space<hbm>>
        %dma_start3A_51 = arith.constant 0 : i32
        %dma_start3A_52 = tpu.memref_slice %arg4[%add3A_29, %dma_start3A_51] : memref<2560x128xi32, #tpu.memory_space<hbm>> -> memref<8x128xi32, #tpu.memory_space<hbm>>
        tpu.enqueue_dma source(%dma_start3A_52 : memref<8x128xi32, #tpu.memory_space<hbm>>) target(%arg7 : memref<8x128xi32, #tpu.memory_space<vmem>>) target_semaphore(%run_scoped3A : memref<!tpu.dma_semaphore, #tpu.memory_space<semaphore_mem>>)
        %dma_wait3A = arith.constant 0 : i32
        %dma_wait3A_53 = tpu.memref_slice %arg4[%add3A_29, %dma_wait3A] : memref<2560x128xi32, #tpu.memory_space<hbm>> -> memref<8x128xi32, #tpu.memory_space<hbm>>
        %dma_wait3A_54 = arith.constant 0 : i32
        %dma_wait3A_55 = tpu.memref_slice %arg4[%add3A_29, %dma_wait3A_54] : memref<2560x128xi32, #tpu.memory_space<hbm>> -> memref<8x128xi32, #tpu.memory_space<hbm>>
        tpu.wait_dma2 semaphore(%run_scoped3A : memref<!tpu.dma_semaphore, #tpu.memory_space<semaphore_mem>>) src(%dma_wait3A_55 : memref<8x128xi32, #tpu.memory_space<hbm>>) dst(%arg7 : memref<8x128xi32, #tpu.memory_space<vmem>>)
        tpu.yield
      }) : () -> ()
      %dma_start3A = arith.constant 0 : i32
      %dma_start3A_30 = arith.constant 0 : i32
      %dma_start3A_31 = tpu.memref_slice %arg6[%dma_start3A, %dma_start3A_30] : memref<8x128xi32, #tpu.memory_space<vmem>> -> memref<1x128xi32, #tpu.memory_space<vmem>>
      %dma_start3A_32 = tpu.memref_squeeze %dma_start3A_31 : memref<1x128xi32, #tpu.memory_space<vmem>> -> memref<128xi32, #tpu.memory_space<vmem>>
      %dma_start3A_33 = arith.constant 0 : i32
      %dma_start3A_34 = arith.constant 0 : i32
      %dma_start3A_35 = tpu.memref_slice %arg2[%dma_start3A_33, %dma_start3A_34] : memref<10000x128xf32, #tpu.memory_space<hbm>> -> memref<10000x128xf32, #tpu.memory_space<hbm>>
      tpu.enqueue_indirect_dma source(%dma_start3A_35 : memref<10000x128xf32, #tpu.memory_space<hbm>>) target(%arg8 : memref<128x128xf32, #tpu.memory_space<vmem>>) offsets(%dma_start3A_32 : memref<128xi32, #tpu.memory_space<vmem>>) semaphore(%arg12 : memref<!tpu.dma_semaphore, #tpu.memory_space<semaphore_mem>>)
      %dma_start3A_36 = arith.constant 1 : i32
      %dma_start3A_37 = arith.constant 0 : i32
      %dma_start3A_38 = tpu.memref_slice %arg6[%dma_start3A_36, %dma_start3A_37] : memref<8x128xi32, #tpu.memory_space<vmem>> -> memref<1x128xi32, #tpu.memory_space<vmem>>
      %dma_start3A_39 = tpu.memref_squeeze %dma_start3A_38 : memref<1x128xi32, #tpu.memory_space<vmem>> -> memref<128xi32, #tpu.memory_space<vmem>>
      %dma_start3A_40 = arith.constant 0 : i32
      %dma_start3A_41 = arith.constant 0 : i32
      %dma_start3A_42 = tpu.memref_slice %arg2[%dma_start3A_40, %dma_start3A_41] : memref<10000x128xf32, #tpu.memory_space<hbm>> -> memref<10000x128xf32, #tpu.memory_space<hbm>>
      tpu.enqueue_indirect_dma source(%dma_start3A_42 : memref<10000x128xf32, #tpu.memory_space<hbm>>) target(%arg9 : memref<128x128xf32, #tpu.memory_space<vmem>>) offsets(%dma_start3A_39 : memref<128xi32, #tpu.memory_space<vmem>>) semaphore(%arg13 : memref<!tpu.dma_semaphore, #tpu.memory_space<semaphore_mem>>)
      %scan3A_43 = arith.constant 0 : i32
      %scan3A_44 = arith.constant 4 : i32
      %scan3A_45 = arith.addi %scan3A_43, %scan3A_44 : i32
      %scan3A_46 = arith.constant 1 : i32
      scf.for %scan3A_49 = %scan3A_43 to %scan3A_45 step %scan3A_46  : i32 {
        %mul3A_50 = arith.constant 1 : i32
        %mul3A_51 = arith.muli %scan3A_49, %mul3A_50 : i32
        %add3A_52 = arith.constant 0 : i32
        %add3A_53 = arith.addi %add3A_52, %mul3A_51 : i32
        %mul3A_54 = arith.constant 2 : i32
        %mul3A_55 = arith.muli %mul3A_54, %add3A_53 : i32
        %add3A_56 = arith.constant 1 : i32
        %add3A_57 = arith.addi %mul3A_55, %add3A_56 : i32
        %dma_wait3A = arith.constant 0 : i32
        %dma_wait3A_58 = tpu.memref_slice %arg6[%mul3A_55, %dma_wait3A] : memref<8x128xi32, #tpu.memory_space<vmem>> -> memref<1x128xi32, #tpu.memory_space<vmem>>
        %dma_wait3A_59 = tpu.memref_squeeze %dma_wait3A_58 : memref<1x128xi32, #tpu.memory_space<vmem>> -> memref<128xi32, #tpu.memory_space<vmem>>
        %dma_wait3A_60 = arith.constant 0 : i32
        %dma_wait3A_61 = arith.constant 0 : i32
        %dma_wait3A_62 = tpu.memref_slice %arg2[%dma_wait3A_60, %dma_wait3A_61] : memref<10000x128xf32, #tpu.memory_space<hbm>> -> memref<10000x128xf32, #tpu.memory_space<hbm>>
        tpu.wait_indirect_dma semaphore(%arg12 : memref<!tpu.dma_semaphore, #tpu.memory_space<semaphore_mem>>) src(%dma_wait3A_62 : memref<10000x128xf32, #tpu.memory_space<hbm>>) dst(%arg8 : memref<128x128xf32, #tpu.memory_space<vmem>>)
        %dma_start3A_63 = arith.constant 0 : i32
        %dma_start3A_64 = tpu.memref_slice %arg7[%mul3A_55, %dma_start3A_63] : memref<8x128xi32, #tpu.memory_space<vmem>> -> memref<1x128xi32, #tpu.memory_space<vmem>>
        %dma_start3A_65 = tpu.memref_squeeze %dma_start3A_64 : memref<1x128xi32, #tpu.memory_space<vmem>> -> memref<128xi32, #tpu.memory_space<vmem>>
        %dma_start3A_66 = arith.constant 0 : i32
        %dma_start3A_67 = arith.constant 0 : i32
        %dma_start3A_68 = tpu.memref_slice %arg11[%dma_start3A_66, %dma_start3A_67] : memref<10240x128xf32, #tpu.memory_space<vmem_shared>> -> memref<10240x128xf32, #tpu.memory_space<vmem_shared>>
        tpu.enqueue_indirect_dma source(%arg8 : memref<128x128xf32, #tpu.memory_space<vmem>>) target(%dma_start3A_68 : memref<10240x128xf32, #tpu.memory_space<vmem_shared>>) offsets(%dma_start3A_65 : memref<128xi32, #tpu.memory_space<vmem>>) semaphore(%arg14 : memref<!tpu.dma_semaphore, #tpu.memory_space<semaphore_mem>>) {add = true}
        %dma_wait3A_69 = arith.constant 0 : i32
        %dma_wait3A_70 = tpu.memref_slice %arg6[%add3A_57, %dma_wait3A_69] : memref<8x128xi32, #tpu.memory_space<vmem>> -> memref<1x128xi32, #tpu.memory_space<vmem>>
        %dma_wait3A_71 = tpu.memref_squeeze %dma_wait3A_70 : memref<1x128xi32, #tpu.memory_space<vmem>> -> memref<128xi32, #tpu.memory_space<vmem>>
        %dma_wait3A_72 = arith.constant 0 : i32
        %dma_wait3A_73 = arith.constant 0 : i32
        %dma_wait3A_74 = tpu.memref_slice %arg2[%dma_wait3A_72, %dma_wait3A_73] : memref<10000x128xf32, #tpu.memory_space<hbm>> -> memref<10000x128xf32, #tpu.memory_space<hbm>>
        tpu.wait_indirect_dma semaphore(%arg13 : memref<!tpu.dma_semaphore, #tpu.memory_space<semaphore_mem>>) src(%dma_wait3A_74 : memref<10000x128xf32, #tpu.memory_space<hbm>>) dst(%arg9 : memref<128x128xf32, #tpu.memory_space<vmem>>)
        %dma_start3A_75 = arith.constant 0 : i32
        %dma_start3A_76 = tpu.memref_slice %arg7[%add3A_57, %dma_start3A_75] : memref<8x128xi32, #tpu.memory_space<vmem>> -> memref<1x128xi32, #tpu.memory_space<vmem>>
        %dma_start3A_77 = tpu.memref_squeeze %dma_start3A_76 : memref<1x128xi32, #tpu.memory_space<vmem>> -> memref<128xi32, #tpu.memory_space<vmem>>
        %dma_start3A_78 = arith.constant 0 : i32
        %dma_start3A_79 = arith.constant 0 : i32
        %dma_start3A_80 = tpu.memref_slice %arg11[%dma_start3A_78, %dma_start3A_79] : memref<10240x128xf32, #tpu.memory_space<vmem_shared>> -> memref<10240x128xf32, #tpu.memory_space<vmem_shared>>
        tpu.enqueue_indirect_dma source(%arg9 : memref<128x128xf32, #tpu.memory_space<vmem>>) target(%dma_start3A_80 : memref<10240x128xf32, #tpu.memory_space<vmem_shared>>) offsets(%dma_start3A_77 : memref<128xi32, #tpu.memory_space<vmem>>) semaphore(%arg14 : memref<!tpu.dma_semaphore, #tpu.memory_space<semaphore_mem>>) {add = true}
        %dma_wait3A_81 = arith.constant 0 : i32
        %dma_wait3A_82 = tpu.memref_slice %arg7[%mul3A_55, %dma_wait3A_81] : memref<8x128xi32, #tpu.memory_space<vmem>> -> memref<1x128xi32, #tpu.memory_space<vmem>>
        %dma_wait3A_83 = tpu.memref_squeeze %dma_wait3A_82 : memref<1x128xi32, #tpu.memory_space<vmem>> -> memref<128xi32, #tpu.memory_space<vmem>>
        %dma_wait3A_84 = arith.constant 0 : i32
        %dma_wait3A_85 = arith.constant 0 : i32
        %dma_wait3A_86 = tpu.memref_slice %arg11[%dma_wait3A_84, %dma_wait3A_85] : memref<10240x128xf32, #tpu.memory_space<vmem_shared>> -> memref<10240x128xf32, #tpu.memory_space<vmem_shared>>
        tpu.wait_indirect_dma semaphore(%arg14 : memref<!tpu.dma_semaphore, #tpu.memory_space<semaphore_mem>>) src(%arg8 : memref<128x128xf32, #tpu.memory_space<vmem>>) dst(%dma_wait3A_86 : memref<10240x128xf32, #tpu.memory_space<vmem_shared>>)
        %dma_wait3A_87 = arith.constant 0 : i32
        %dma_wait3A_88 = tpu.memref_slice %arg7[%add3A_57, %dma_wait3A_87] : memref<8x128xi32, #tpu.memory_space<vmem>> -> memref<1x128xi32, #tpu.memory_space<vmem>>
        %dma_wait3A_89 = tpu.memref_squeeze %dma_wait3A_88 : memref<1x128xi32, #tpu.memory_space<vmem>> -> memref<128xi32, #tpu.memory_space<vmem>>
        %dma_wait3A_90 = arith.constant 0 : i32
        %dma_wait3A_91 = arith.constant 0 : i32
        %dma_wait3A_92 = tpu.memref_slice %arg11[%dma_wait3A_90, %dma_wait3A_91] : memref<10240x128xf32, #tpu.memory_space<vmem_shared>> -> memref<10240x128xf32, #tpu.memory_space<vmem_shared>>
        tpu.wait_indirect_dma semaphore(%arg14 : memref<!tpu.dma_semaphore, #tpu.memory_space<semaphore_mem>>) src(%arg9 : memref<128x128xf32, #tpu.memory_space<vmem>>) dst(%dma_wait3A_92 : memref<10240x128xf32, #tpu.memory_space<vmem_shared>>)
        %add3A_93 = arith.constant 2 : i32
        %add3A_94 = arith.addi %mul3A_55, %add3A_93 : i32
        %lt3A = arith.constant 8 : i32
        %lt3A_95 = arith.cmpi slt, %add3A_94, %lt3A : i32
        %convert_element_type3A_96 = arith.extui %lt3A_95 : i1 to i32
        %cond3A_97 = arith.constant 0 : i32
        %cond3A_98 = arith.cmpi ne, %convert_element_type3A_96, %cond3A_97 : i32
        scf.if %cond3A_98 {
          %add3A_99 = arith.constant 2 : i32
          %add3A_100 = arith.addi %mul3A_55, %add3A_99 : i32
          %dma_start3A_101 = arith.constant 0 : i32
          %dma_start3A_102 = tpu.memref_slice %arg6[%add3A_100, %dma_start3A_101] : memref<8x128xi32, #tpu.memory_space<vmem>> -> memref<1x128xi32, #tpu.memory_space<vmem>>
          %dma_start3A_103 = tpu.memref_squeeze %dma_start3A_102 : memref<1x128xi32, #tpu.memory_space<vmem>> -> memref<128xi32, #tpu.memory_space<vmem>>
          %dma_start3A_104 = arith.constant 0 : i32
          %dma_start3A_105 = arith.constant 0 : i32
          %dma_start3A_106 = tpu.memref_slice %arg2[%dma_start3A_104, %dma_start3A_105] : memref<10000x128xf32, #tpu.memory_space<hbm>> -> memref<10000x128xf32, #tpu.memory_space<hbm>>
          tpu.enqueue_indirect_dma source(%dma_start3A_106 : memref<10000x128xf32, #tpu.memory_space<hbm>>) target(%arg8 : memref<128x128xf32, #tpu.memory_space<vmem>>) offsets(%dma_start3A_103 : memref<128xi32, #tpu.memory_space<vmem>>) semaphore(%arg12 : memref<!tpu.dma_semaphore, #tpu.memory_space<semaphore_mem>>)
          %add3A_107 = arith.constant 2 : i32
          %add3A_108 = arith.addi %add3A_57, %add3A_107 : i32
          %dma_start3A_109 = arith.constant 0 : i32
          %dma_start3A_110 = tpu.memref_slice %arg6[%add3A_108, %dma_start3A_109] : memref<8x128xi32, #tpu.memory_space<vmem>> -> memref<1x128xi32, #tpu.memory_space<vmem>>
          %dma_start3A_111 = tpu.memref_squeeze %dma_start3A_110 : memref<1x128xi32, #tpu.memory_space<vmem>> -> memref<128xi32, #tpu.memory_space<vmem>>
          %dma_start3A_112 = arith.constant 0 : i32
          %dma_start3A_113 = arith.constant 0 : i32
          %dma_start3A_114 = tpu.memref_slice %arg2[%dma_start3A_112, %dma_start3A_113] : memref<10000x128xf32, #tpu.memory_space<hbm>> -> memref<10000x128xf32, #tpu.memory_space<hbm>>
          tpu.enqueue_indirect_dma source(%dma_start3A_114 : memref<10000x128xf32, #tpu.memory_space<hbm>>) target(%arg9 : memref<128x128xf32, #tpu.memory_space<vmem>>) offsets(%dma_start3A_111 : memref<128xi32, #tpu.memory_space<vmem>>) semaphore(%arg13 : memref<!tpu.dma_semaphore, #tpu.memory_space<semaphore_mem>>)
        } else {
        }
      }
      %scan3A_47 = arith.constant 4 : i32
      %scan3A_48 = arith.constant 1 : i32
    } else {
    }
    %barrier3A_17 = arith.constant 0 : index
    tpu.barrier barrier_id(%barrier3A_17)
    %mul3A = arith.constant 640 : i32
    %mul3A_18 = arith.muli %arg1, %mul3A : i32
    "tpu.region"() ({
      %run_scoped3A = tpu.sem_alloc : memref<!tpu.dma_semaphore, #tpu.memory_space<semaphore_mem>>
      %dma_start3A = arith.constant 0 : i32
      %dma_start3A_19 = tpu.memref_slice %arg5[%arg0, %mul3A_18, %dma_start3A] : memref<2x10240x128xf32, #tpu.memory_space<hbm>> -> memref<1x640x128xf32, #tpu.memory_space<hbm>>
      %dma_start3A_20 = tpu.memref_squeeze %dma_start3A_19 : memref<1x640x128xf32, #tpu.memory_space<hbm>> -> memref<640x128xf32, #tpu.memory_space<hbm>>
      %dma_start3A_21 = arith.constant 0 : i32
      %dma_start3A_22 = tpu.memref_slice %arg11[%mul3A_18, %dma_start3A_21] : memref<10240x128xf32, #tpu.memory_space<vmem_shared>> -> memref<640x128xf32, #tpu.memory_space<vmem_shared>>
      tpu.enqueue_dma source(%dma_start3A_22 : memref<640x128xf32, #tpu.memory_space<vmem_shared>>) target(%dma_start3A_20 : memref<640x128xf32, #tpu.memory_space<hbm>>) target_semaphore(%run_scoped3A : memref<!tpu.dma_semaphore, #tpu.memory_space<semaphore_mem>>)
      %dma_wait3A = arith.constant 0 : i32
      %dma_wait3A_23 = tpu.memref_slice %arg5[%arg0, %mul3A_18, %dma_wait3A] : memref<2x10240x128xf32, #tpu.memory_space<hbm>> -> memref<1x640x128xf32, #tpu.memory_space<hbm>>
      %dma_wait3A_24 = tpu.memref_squeeze %dma_wait3A_23 : memref<1x640x128xf32, #tpu.memory_space<hbm>> -> memref<640x128xf32, #tpu.memory_space<hbm>>
      %dma_wait3A_25 = arith.constant 0 : i32
      %dma_wait3A_26 = tpu.memref_slice %arg11[%mul3A_18, %dma_wait3A_25] : memref<10240x128xf32, #tpu.memory_space<vmem_shared>> -> memref<640x128xf32, #tpu.memory_space<vmem_shared>>
      tpu.wait_dma2 semaphore(%run_scoped3A : memref<!tpu.dma_semaphore, #tpu.memory_space<semaphore_mem>>) src(%dma_wait3A_26 : memref<640x128xf32, #tpu.memory_space<vmem_shared>>) dst(%dma_wait3A_24 : memref<640x128xf32, #tpu.memory_space<hbm>>)
      tpu.yield
    }) : () -> ()
    return
  }
}

module attributes {stable_mosaic.version = 14 : i64} {
  func.func @body(%arg0: i32, %arg1: memref<400x128xf32, #tpu.memory_space<vmem>>, %arg2: memref<2x400x128xf32, #tpu.memory_space<vmem>>, %arg3: memref<400x128xf32, #tpu.memory_space<vmem>>) attributes {dimension_semantics = [#tpu.dimension_semantics<arbitrary>], iteration_bounds = array<i64: 25>, scalar_prefetch = 0 : i64, scratch_operands = 0 : i64, tpu.core_type = #tpu.core_type<tc>, window_params = [{transform_indices = @transform_0, window_bounds = array<i64: 400, 128>}, {transform_indices = @transform_1, window_bounds = array<i64: 2, 400, 128>}, {transform_indices = @transform_2, window_bounds = array<i64: 400, 128>}]} {
    %get3A = arith.constant 0 : index
    %get3A_0 = arith.constant 0 : index
    %get3A_1 = arith.constant 0 : index
    %get3A_2 = vector.load %arg2[%get3A, %get3A_0, %get3A_1] : memref<2x400x128xf32, #tpu.memory_space<vmem>>, vector<1x400x1xf32>
    %get3A_3 = vector.shape_cast %get3A_2 : vector<1x400x1xf32> to vector<400x1xf32>
    %get3A_4 = arith.constant 1 : index
    %get3A_5 = arith.constant 0 : index
    %get3A_6 = arith.constant 0 : index
    %get3A_7 = vector.load %arg2[%get3A_4, %get3A_5, %get3A_6] : memref<2x400x128xf32, #tpu.memory_space<vmem>>, vector<1x400x1xf32>
    %get3A_8 = vector.shape_cast %get3A_7 : vector<1x400x1xf32> to vector<400x1xf32>
    %add3A = arith.addf %get3A_3, %get3A_8 : vector<400x1xf32>
    %add3A_9 = arith.constant 1.000000e+00 : f32
    %add3A_10 = vector.broadcast %add3A_9 : f32 to vector<400x1xf32>
    %add3A_11 = arith.addf %add3A, %add3A_10 : vector<400x1xf32>
    %get3A_12 = arith.constant 0 : index
    %get3A_13 = arith.constant 0 : index
    %get3A_14 = vector.load %arg1[%get3A_12, %get3A_13] : memref<400x128xf32, #tpu.memory_space<vmem>>, vector<400x128xf32>
    %rsqrt3A = math.rsqrt %add3A_11 : vector<400x1xf32>
    %mul3A = vector.broadcast %rsqrt3A : vector<400x1xf32> to vector<400x128xf32>
    %mul3A_15 = arith.mulf %get3A_14, %mul3A : vector<400x128xf32>
    %swap3A = arith.constant 0 : index
    %swap3A_16 = arith.constant 0 : index
    %swap3A_17 = vector.load %arg3[%swap3A, %swap3A_16] : memref<400x128xf32, #tpu.memory_space<vmem>>, vector<400x128xf32>
    tpu.vector_store %arg3[%swap3A, %swap3A_16], %mul3A_15 {strides = array<i32>} : memref<400x128xf32, #tpu.memory_space<vmem>>, vector<400x128xf32>,
    return
  }
  func.func @transform_0(%arg0: i32) -> (i32, i32) {
    %c0_i32 = arith.constant 0 : i32
    %c0_i32_0 = arith.constant 0 : i32
    return %arg0, %c0_i32 : i32, i32
  }
  func.func @transform_1(%arg0: i32) -> (i32, i32, i32) {
    %c0_i32 = arith.constant 0 : i32
    %c0_i32_0 = arith.constant 0 : i32
    %c0_i32_1 = arith.constant 0 : i32
    return %c0_i32, %arg0, %c0_i32_0 : i32, i32, i32
  }
  func.func @transform_2(%arg0: i32) -> (i32, i32) {
    %c0_i32 = arith.constant 0 : i32
    %c0_i32_0 = arith.constant 0 : i32
    return %arg0, %c0_i32 : i32, i32
  }
}

module attributes {stable_mosaic.version = 14 : i64} {
  func.func @body(%arg0: i32, %arg1: memref<2x400x128xf32, #tpu.memory_space<vmem>>, %arg2: memref<400x128xf32, #tpu.memory_space<vmem>>, %arg3: memref<2x400x128xf32, #tpu.memory_space<vmem>>, %arg4: memref<128x256xf32, #tpu.memory_space<vmem>>, %arg5: memref<1x256xf32, #tpu.memory_space<vmem>>, %arg6: memref<400x256xf32, #tpu.memory_space<vmem>>) attributes {dimension_semantics = [#tpu.dimension_semantics<arbitrary>], iteration_bounds = array<i64: 25>, scalar_prefetch = 0 : i64, scratch_operands = 0 : i64, tpu.core_type = #tpu.core_type<tc>, window_params = [{transform_indices = @transform_0, window_bounds = array<i64: 2, 400, 128>}, {transform_indices = @transform_1, window_bounds = array<i64: 400, 128>}, {transform_indices = @transform_2, window_bounds = array<i64: 2, 400, 128>}, {pipeline_mode = #tpu.pipeline_mode<synchronous>, transform_indices = @transform_3, window_bounds = array<i64: 128, 256>}, {pipeline_mode = #tpu.pipeline_mode<synchronous>, transform_indices = @transform_4, window_bounds = array<i64: 1, 256>}, {transform_indices = @transform_5, window_bounds = array<i64: 400, 256>}]} {
    %get3A = arith.constant 0 : index
    %get3A_0 = arith.constant 0 : index
    %get3A_1 = arith.constant 0 : index
    %get3A_2 = vector.load %arg3[%get3A, %get3A_0, %get3A_1] : memref<2x400x128xf32, #tpu.memory_space<vmem>>, vector<1x400x1xf32>
    %get3A_3 = vector.shape_cast %get3A_2 : vector<1x400x1xf32> to vector<400x1xf32>
    %get3A_4 = arith.constant 1 : index
    %get3A_5 = arith.constant 0 : index
    %get3A_6 = arith.constant 0 : index
    %get3A_7 = vector.load %arg3[%get3A_4, %get3A_5, %get3A_6] : memref<2x400x128xf32, #tpu.memory_space<vmem>>, vector<1x400x1xf32>
    %get3A_8 = vector.shape_cast %get3A_7 : vector<1x400x1xf32> to vector<400x1xf32>
    %add3A = arith.addf %get3A_3, %get3A_8 : vector<400x1xf32>
    %add3A_9 = arith.constant 1.000000e+00 : f32
    %add3A_10 = vector.broadcast %add3A_9 : f32 to vector<400x1xf32>
    %add3A_11 = arith.addf %add3A, %add3A_10 : vector<400x1xf32>
    %get3A_12 = arith.constant 0 : index
    %get3A_13 = arith.constant 0 : index
    %get3A_14 = arith.constant 0 : index
    %get3A_15 = vector.load %arg1[%get3A_12, %get3A_13, %get3A_14] : memref<2x400x128xf32, #tpu.memory_space<vmem>>, vector<1x400x128xf32>
    %get3A_16 = vector.shape_cast %get3A_15 : vector<1x400x128xf32> to vector<400x128xf32>
    %get3A_17 = arith.constant 1 : index
    %get3A_18 = arith.constant 0 : index
    %get3A_19 = arith.constant 0 : index
    %get3A_20 = vector.load %arg1[%get3A_17, %get3A_18, %get3A_19] : memref<2x400x128xf32, #tpu.memory_space<vmem>>, vector<1x400x128xf32>
    %get3A_21 = vector.shape_cast %get3A_20 : vector<1x400x128xf32> to vector<400x128xf32>
    %add3A_22 = arith.addf %get3A_16, %get3A_21 : vector<400x128xf32>
    %get3A_23 = arith.constant 0 : index
    %get3A_24 = arith.constant 0 : index
    %get3A_25 = vector.load %arg2[%get3A_23, %get3A_24] : memref<400x128xf32, #tpu.memory_space<vmem>>, vector<400x128xf32>
    %add3A_26 = arith.addf %add3A_22, %get3A_25 : vector<400x128xf32>
    %rsqrt3A = math.rsqrt %add3A_11 : vector<400x1xf32>
    %mul3A = vector.broadcast %rsqrt3A : vector<400x1xf32> to vector<400x128xf32>
    %mul3A_27 = arith.mulf %add3A_26, %mul3A : vector<400x128xf32>
    %get3A_28 = arith.constant 0 : index
    %get3A_29 = arith.constant 0 : index
    %get3A_30 = vector.load %arg4[%get3A_28, %get3A_29] : memref<128x256xf32, #tpu.memory_space<vmem>>, vector<128x256xf32>
    %dot_general3A = arith.constant dense<0.000000e+00> : vector<400x256xf32>
    %dot_general3A_31 = tpu.matmul %mul3A_27, %get3A_30, %dot_general3A {dimension_numbers = #tpu.dot_dimension_numbers<[1], [0], [0], [1], [0, 0, 1, 1], [], []>, precision = #tpu.contract_precision<fp32>, transpose_lhs_hint = false} : vector<400x128xf32>, vector<128x256xf32>, vector<400x256xf32> -> vector<400x256xf32>
    %get3A_32 = arith.constant 0 : index
    %get3A_33 = arith.constant 0 : index
    %get3A_34 = vector.load %arg5[%get3A_32, %get3A_33] : memref<1x256xf32, #tpu.memory_space<vmem>>, vector<1x256xf32>
    %add3A_35 = vector.broadcast %get3A_34 : vector<1x256xf32> to vector<400x256xf32>
    %add3A_36 = arith.addf %dot_general3A_31, %add3A_35 : vector<400x256xf32>
    %swap3A = arith.constant 0 : index
    %swap3A_37 = arith.constant 0 : index
    %swap3A_38 = vector.load %arg6[%swap3A, %swap3A_37] : memref<400x256xf32, #tpu.memory_space<vmem>>, vector<400x256xf32>
    tpu.vector_store %arg6[%swap3A, %swap3A_37], %add3A_36 {strides = array<i32>} : memref<400x256xf32, #tpu.memory_space<vmem>>, vector<400x256xf32>,
    return
  }
  func.func @transform_0(%arg0: i32) -> (i32, i32, i32) {
    %c0_i32 = arith.constant 0 : i32
    %c0_i32_0 = arith.constant 0 : i32
    %c0_i32_1 = arith.constant 0 : i32
    return %c0_i32, %arg0, %c0_i32_0 : i32, i32, i32
  }
  func.func @transform_1(%arg0: i32) -> (i32, i32) {
    %c0_i32 = arith.constant 0 : i32
    %c0_i32_0 = arith.constant 0 : i32
    return %arg0, %c0_i32 : i32, i32
  }
  func.func @transform_2(%arg0: i32) -> (i32, i32, i32) {
    %c0_i32 = arith.constant 0 : i32
    %c0_i32_0 = arith.constant 0 : i32
    %c0_i32_1 = arith.constant 0 : i32
    return %c0_i32, %arg0, %c0_i32_0 : i32, i32, i32
  }
  func.func @transform_3(%arg0: i32) -> (i32, i32) {
    %c0_i32 = arith.constant 0 : i32
    %c0_i32_0 = arith.constant 0 : i32
    %c0_i32_1 = arith.constant 0 : i32
    return %c0_i32, %c0_i32_0 : i32, i32
  }
  func.func @transform_4(%arg0: i32) -> (i32, i32) {
    %c0_i32 = arith.constant 0 : i32
    %c0_i32_0 = arith.constant 0 : i32
    %c0_i32_1 = arith.constant 0 : i32
    return %c0_i32, %c0_i32_0 : i32, i32
  }
  func.func @transform_5(%arg0: i32) -> (i32, i32) {
    %c0_i32 = arith.constant 0 : i32
    %c0_i32_0 = arith.constant 0 : i32
    return %arg0, %c0_i32 : i32, i32
  }
}

</mosaic_0001>

<sc_bundles>
// kernel: kernel.6.cloned.1.call-start
scs
__scs_entry_jumppad:
0x0: {  	(pc) =	sbr.rel $0x88, $3  }
0x1: {  	(tag) =	ssettag $0x0;
	lr =	simm.s32 $0x1  }
0x2: {  	[smem:$0x3F9D] =	sst lr;
	_ =	strace $0xD0000000  }
0x3: {  	_ = 	snop  }
0x4: {  	_ = 	snop  }
0x5: {  	_ = 	snop  }
0x6: {  	_ = 	snop  }
0x7: {  	_ = 	snop  }
__scs_overlays_trampoline_lowered:
0x8: {  	[smem:$0x3FAC] =	sst s0  }
0x9: {  	[smem:$0x3FAD] =	sst s1  }
0xa: {  	[smem:$0x3FAE] =	sst s2  }
0xb: {  	[smem:$0x3FAF] =	sst s3  }
0xc: {  	[smem:$0x3FB0] =	sst s4  }
0xd: {  	[smem:$0x3FB1] =	sst s5  }
0xe: {  	[smem:$0x3FB2] =	sst s6  }
0xf: {  	[smem:$0x3FB3] =	sst s7  }
0x10: {  	[smem:$0x3FB4] =	sst s8  }
0x11: {  	[smem:$0x3FB5] =	sst s9;
	s0 =	simm.s32 @!p0 $0x0  }
0x12: {  	s1 =	sld [smem:$0x3F9B];
	s0 =	simm.s32 @p0 $0x1  }
0x13: {  	[smem:$0x3FB6] =	sst s0;
	s0 =	simm.s32 @!p1 $0x0  }
0x14: {  	s2 =	sld [smem:$0x3F9A];
	s0 =	simm.s32 @p1 $0x1  }
0x15: {  	[smem:$0x3FB7] =	sst s0;
	s0 =	simm.s32 @!p2 $0x0  }
0x16: {  	s3 =	sld [smem:$0x3FDB];
	s0 =	simm.s32 @p2 $0x1  }
0x17: {  	s4 =	simm.s32 $0x1BF5;
	[smem:$0x3FB9] =	sst s0  }
0x18: {  	s0 =	sld [smem:$0x3F9C];
	_ =	swait.ge [sflag:s4], $0x0  }
0x19: {  	s7 =	sld [smem:$0x3F9D]  }
0x1a: {  	s8 =	sadd.s32 $0xFFFFE003, lr  }
0x1b: {  	s9 =	sadd.s32 $0xFFFFFEF7, lr;
	s5 =	simm.s32 $0xFFFFFFFF;
	p2 =	slt.u32 s8, $0xFFFFF086  }
0x1c: {  	p1 =	slt.u32 s9, $0xF7A;
	s5 =	simm.s32 @!p2 $0x0  }
0x1d: {  	s5 =	simm.s32 @p1 $0x1;
	p0 =	seq.s32 s7, s2  }
0x1e: {  	s7 =	smul.u32 @!p0 $0xF7A, s2;
	p2 =	seq.s32 @!p0 s5, $0x0  }
0x1f: {  	s9 =	smul.u32 $0xF7A, s1;
	s8 =	simm.s32 @!p0 $0x1BF5;
	p2 =	por !p2, p0  }
0x20: {  	[sflag:s8] =	ssyncset.s32 @!p0 $0xFFFFF086;
	s6 =	sadd.s32 @!p0 s3, s7;
	s7 =	simm.s32 @!p0 $0x108  }
0x21: {  	s3 =	sadd.s32 s3, s9;
	s6 =	sadd.s32 @!p0 $0x88, s6;
	s7 =	simm.s32 @p2 $0x1082  }
0x22: {  	[simem:s7], [sflag:s8] =	dma.local @!p0 [hbm:s6], $0xF7A  }
0x23: {  	s9 =	sor.u32 $0xD0000000, s2;
	s6 =	simm.s32 $0x108;
	_ =	swait.ge @!p0 [sflag:s8], $0x0  }
0x24: {  	s3 =	sadd.s32 $0x88, s3;
	s6 =	simm.s32 @!p1 $0x1082;
	[sflag:s4] =	ssyncset.s32 $0xFFFFF086  }
0x25: {  	[simem:s6], [sflag:s4] =	dma.local [hbm:s3], $0xF7A  }
0x26: {  	[smem:$0x3F9D] =	sst s1;
	(tag) =	ssettag s2;
	_ =	strace s9  }
0x27: {  	s1 =	sld [smem:$0x3FAD]  }
0x28: {  	s2 =	sld [smem:$0x3FAE]  }
0x29: {  	s4 =	sld [smem:$0x3FB0]  }
0x2a: {  	p0 =	seq.s32 s5, $0x0;
	s5 =	sld [smem:$0x3FB1]  }
0x2b: {  	s6 =	sld [smem:$0x3FB2]  }
0x2c: {  	s7 =	sld [smem:$0x3FB3]  }
0x2d: {  	s3 =	simm.s32 $0x108;
	s8 =	sld [smem:$0x3FB4]  }
0x2e: {  	s3 =	simm.s32 @!p0 $0x1082;
	s9 =	sld [smem:$0x3FB5]  }
0x2f: {  	lr =	sadd.s32 s0, s3;
	s0 =	sld [smem:$0x3FAC]  }
0x30: {  	s3 =	sld [smem:$0x3FAF]  }
0x31: {  	[smem:$0x3FB8] =	sst s10  }
0x32: {  	s10 =	sld [smem:$0x3FB6];
	_ =	sdelay $0x3  }
0x33: {  	p0 =	seq.s32 s10, $0x1;
	s10 =	sld [smem:$0x3FB8];
	_ =	sdelay $0x3  }
0x34: {  	[smem:$0x3FB8] =	sst s10  }
0x35: {  	s10 =	sld [smem:$0x3FB7];
	_ =	sdelay $0x3  }
0x36: {  	p1 =	seq.s32 s10, $0x1;
	s10 =	sld [smem:$0x3FB8];
	_ =	sdelay $0x3  }
0x37: {  	[smem:$0x3FB8] =	sst s10  }
0x38: {  	s10 =	sld [smem:$0x3FB9]  }
0x39: {  	_ = 	snop;
	(pc) =	sbr.ind lr, $3  }
0x3a: {  	_ = 	snop  }
0x3b: {  	_ = 	snop  }
0x3c: {  	p2 =	seq.s32 s10, $0x1;
	s10 =	sld [smem:$0x3FB8]  }
0x3d: {  	_ =	shalt  }
0x3e: {  	_ =	shalt  }
0x3f: {  	_ =	shalt  }
0x40: {  	_ =	shalt  }
0x41: {  	_ =	shalt  }
0x42: {  	_ =	shalt  }
0x43: {  	_ =	shalt  }
0x44: {  	_ =	shalt  }
0x45: {  	_ =	shalt  }
0x46: {  	_ =	shalt  }
0x47: {  	_ =	shalt  }
0x48: {  	_ =	shalt  }
0x49: {  	_ =	shalt  }
0x4a: {  	_ =	shalt  }
0x4b: {  	_ =	shalt  }
0x4c: {  	_ =	shalt  }
0x4d: {  	_ =	shalt  }
0x4e: {  	_ =	shalt  }
0x4f: {  	_ =	shalt  }
0x50: {  	_ =	shalt  }
0x51: {  	_ =	shalt  }
0x52: {  	_ =	shalt  }
0x53: {  	_ =	shalt  }
0x54: {  	_ =	shalt  }
0x55: {  	_ =	shalt  }
0x56: {  	_ =	shalt  }
0x57: {  	_ =	shalt  }
0x58: {  	_ =	shalt  }
0x59: {  	_ =	shalt  }
0x5a: {  	_ =	shalt  }
0x5b: {  	_ =	shalt  }
0x5c: {  	_ =	shalt  }
0x5d: {  	_ =	shalt  }
0x5e: {  	_ =	shalt  }
0x5f: {  	_ =	shalt  }
0x60: {  	_ =	shalt  }
0x61: {  	_ =	shalt  }
0x62: {  	_ =	shalt  }
0x63: {  	_ =	shalt  }
0x64: {  	_ =	shalt  }
0x65: {  	_ =	shalt  }
0x66: {  	_ =	shalt  }
0x67: {  	_ =	shalt  }
0x68: {  	_ =	shalt  }
0x69: {  	_ =	shalt  }
0x6a: {  	_ =	shalt  }
0x6b: {  	_ =	shalt  }
0x6c: {  	_ =	shalt  }
0x6d: {  	_ =	shalt  }
0x6e: {  	_ =	shalt  }
0x6f: {  	_ =	shalt  }
0x70: {  	_ =	shalt  }
0x71: {  	_ =	shalt  }
0x72: {  	_ =	shalt  }
0x73: {  	_ =	shalt  }
0x74: {  	_ =	shalt  }
0x75: {  	_ =	shalt  }
0x76: {  	_ =	shalt  }
0x77: {  	_ =	shalt  }
0x78: {  	_ =	shalt  }
0x79: {  	_ =	shalt  }
0x7a: {  	_ =	shalt  }
0x7b: {  	_ =	shalt  }
0x7c: {  	_ =	shalt  }
0x7d: {  	_ =	shalt  }
0x7e: {  	_ =	shalt  }
0x7f: {  	_ =	shalt  }
0x80: {  	_ =	shalt  }
0x81: {  	_ =	shalt  }
0x82: {  	_ =	shalt  }
0x83: {  	_ =	shalt  }
0x84: {  	_ =	shalt  }
0x85: {  	_ =	shalt  }
0x86: {  	_ =	shalt  }
0x87: {  	_ =	shalt  }
.Lfunc_end0:
.L_simem_size_0:
called_computation_lowered:
.L_overlay_start_0:
0x88: {  	s2 =	sld [smem:$0x3FD9]  }
0x89: {  	s3 =	sld [smem:$0x3FFE];
	_ =	sdelay $0x1  }
0x8a: {  	s1 =	srdreg.scid  }
0x8b: {  	s0 =	sand.u32 $0x1, s1  }
0x8c: {  	s16 =	sshll.u32 s0, $0xA;
	s2 =	sadd.s32 s3, s2  }
0x8d: {  	s2 =	sadd.s32 s2, s16  }
0x8e: {  	[smem:$0x3FC4] =	sst s2  }
0x8f: {  	_ = 	snop  }
0x90: {  	(tm) =	ssettm $0x1  }
0x91: {  	s17 =	sld [smem:$0x3FFB];
	_ =	sdelay $0x3  }
0x92: {  	_ =	strace s17  }
0x93: {  	s2 =	sld [smem:$0x3FFC];
	_ =	sdelay $0x3  }
0x94: {  	_ =	strace s2  }
0x95: {  	s2 =	sld [smem:$0x3FFD];
	_ =	sdelay $0x3  }
0x96: {  	_ =	strace s2  }
0x97: {  	_ =	strace $0x8FFFFFFF  }
0x98: {  	s18 =	sld [smem:$0x3FDB];
	_ =	sdelay $0x1  }
0x99: {  	s19 =	simm.s32 $_scs_section_size  }
0x9a: {  	s4 =	simm.s32 $_size__tile_overlayer_lowered;
	s5 =	simm.s32 $_tile_overlayer_lowered  }
0x9b: {  	s22 =	simm.s32 $0x1BFF;
	s21 =	sshll.u32 s5, $0x1;
	s2 =	sadd.s32 s19, s18  }
0x9c: {  	s6 =	simm.s32 $0x0;
	s20 =	sshll.u32 s4, $0x1;
	s4 =	sadd.s32 s21, s2  }
0x9d: {  	[timem:s6], [sflag:s22] =	dma.local [hbm:s4], s20  }
0x9e: {  	_ =	swait.ge [sflag:s22], s20  }
0x9f: {  	s3 =	ssub.s32 $0x0, s20;
	[sflag:s22] =	ssyncset.done $0x0  }
0xa0: {  	[sflag:s22] =	ssyncadd.s32 s3;
	_ =	sdelay $0x1  }
0xa1: {  	s23 =	simm.s32 $0x1B8B  }
0xa2: {  	_ =	swait.ge [sflag:s23], $0x1  }
0xa3: {  	[sflag:s23] =	ssyncset.done $0x0  }
0xa4: {  	s25 =	simm.s32 $0x1B8E;
	s24 =	sld [smem:$0x3FFE];
	[sflag:s23] =	ssyncadd.s32 $0xFFFFFFFF  }
0xa5: {  	s26 =	simm.s32 $execute0_lowered;
	[smem:$0x3FD2] =	sst s25  }
0xa6: {  	s4 =	sshll.u32 s26, $0x1;
	_ =	strace $0x80000046;
	[dreg:$0x1] =	wrdreg $0xFFFFFFFF  }
0xa7: {  	s28 =	simm.s32 $_size_execute0_lowered;
	s2 =	sadd.s32 s2, s4;
	[dreg:$0x0] =	wrdreg $0x0  }
0xa8: {  	s4 =	sshll.u32 s28, $0x1;
	[dreg:$0x2] =	wrdreg s2  }
0xa9: {  	[dreg:$0x3] =	wrdreg s4  }
0xaa: {  	[dreg:$0x4] =	wrdreg $0xC0  }
0xab: {  	_ =	task [dreg:s6], $0x5FFFF  }
0xac: {  	[dreg:$0x1] =	wrdreg $0xFFFFFFFF  }
0xad: {  	[dreg:$0x0] =	wrdreg $0x60  }
0xae: {  	[dreg:$0x2] =	wrdreg s24  }
0xaf: {  	[dreg:$0x3] =	wrdreg $0x88000  }
0xb0: {  	[dreg:$0x4] =	wrdreg $0x9  }
0xb1: {  	_ =	task.clear_ibuf [dreg:s6], $0x5FFFF;
	_ =	strace $0x90000046  }
0xb2: {  	s29 =	simm.s32 $0x9;
	_ =	strace $0x80000048  }
0xb3: {  	_ =	swait.ge [sflag:s29], $0x1  }
0xb4: {  	[sflag:s29] =	ssyncadd.s32 $0xFFFFFFFF  }
0xb5: {  	_ =	strace $0x90000048  }
0xb6: {  	_ =	sfence  }
0xb7: {  	s30 =	sld [smem:$0x0];
	_ =	sdelay $0x2  }
0xb8: {  	s31 =	sshll.u32 s1, $0xD;
	s1 =	sshrl.u32 s1, $0x2  }
0xb9: {  	s3 =	sand.u32 $0x4000, s31;
	s1 =	sadd.s32 s1, s30  }
0xba: {  	s0 =	sor.u32 s3, s0;
	s1 =	sshll.u32 s1, $0x11  }
0xbb: {  	s0 =	sor.u32 s1, s0  }
0xbc: {  	s0 =	sadd.s32 $0x8F2B, s0  }
0xbd: {  	[sflag:s0] =	ssyncadd.remote.s32 $0x1  }
0xbe: {  	_ =	sfence.sel $0xFFFF  }
0xbf: {  	[dreg:$0x0] =	wrdreg $0xFFFFFFFF;
	(pc) =	sbr.abs _section_cstart, $3  }
0xc0: {  	[dreg:$0x1] =	wrdreg $0xFFFFFFFF  }
0xc1: {  	_ =	task.clear_ibuf [dreg:s6], $0x2FFFF;
	_ =	strace $0x9FFFFFFF  }
0xc2: {  	(tm) =	ssettm $0x7FFFFFFF  }
0xc3: {  	_ =	shalt  }
tec
execute0_lowered:
.L_overlay_start_1:
0x0: {  	(tag) =	ssettag $0x1  }
0x1: {  	s4 =	rddreg [dreg:$0x0];
	s0 =	srdreg.scid  }
0x2: {  	s2 =	rddreg [dreg:$0x1];
	s1 =	stileid.u32  }
0x3: {  	s3 =	simm.s32 $0x0;
	s17 =	simm.s32 $0x6800;
	s18 =	simm.s32 $0x1  }
0x4: {  	s19 =	simm.s32 $0x80;
	s20 =	simm.s32 $0x2800;
	s8 =	smul.u32 $0x14000, s1  }
0x5: {  	s5 =	sand.u32 $0x1, s0;
	s0 =	rddreg [dreg:$0x2];
	s30 =	smul.u32 $0x50000, s1  }
0x6: {  	s6 =	sshll.u32 s1, $0x1;
	[smem:$0x7FF] =	sst s3;
	s7 =	smul.u32 $0x140000, s5  }
0x7: {  	s6 =	sor.u32 s5, s6;
	_ =	strace $0x80000047;
	s5 =	ssub.s32 $0x2, s5  }
0x8: {  	s6 =	smul.u32 $0x500, s6;
	s31 =	sshrl.u32 s5, $0x1;
	s7 =	sadd.s32 s8, s7  }
0x9: {  	s8 =	sshrl.u32 s30, $0x2;
	s9 =	ssub.s32 s5, s31;
	s7 =	sshrl.u32 s7, $0x3  }
0xa: {  	s6 =	sadd.s32 s6, s4;
	s7 =	sadd.s32 s7, s4;
	s4 =	sadd.s32 s8, s2  }
0xb: {  	s5 =	sadd.s32 $0xBC00, s6;
	s6 =	sadd.s32 $0x15C00, s7;
	s7 =	smax.u32 s9, $0x1  }
0xc: {  	s8 =	sadd.s32 $0x2000, s4;
	s9 =	sadd.s32 $0x4000, s4;
	s10 =	sadd.s32 $0x6000, s4  }
0xd: {  	s11 =	sadd.s32 $0x8000, s4;
	s12 =	sadd.s32 $0xA000, s4;
	s13 =	sadd.s32 $0xC000, s4  }
0xe: {  	v0 =	vimm.f32 $1.000000000e+00;
	v1 =	vimm.f32 $0.0e+00;
	s14 =	sadd.s32 $0xE000, s4;
	s15 =	sadd.s32 $0x10000, s4;
	s16 =	sadd.s32 $0x12000, s4  }
.LBB2_1:
0xf: {  	s21 =	simm.s32 $0x0;
	s22 =	simm.s32 $0x200  }
.LBB2_2:
0x10: {  	p0 =	sne.s32 s22, $0xFE00;
	[tilespmem:s21+$0x2870] =	vst v0  }
0x11: {  	[tilespmem:s21+$0x2800] =	vst v0  }
0x12: {  	[tilespmem:s21+$0x2810] =	vst v0  }
.Ltmp0:
0x13: {  	[tilespmem:s21+$0x2820] =	vst v0;
	(pc) =	sbr.rel @p0 .LBB2_2-.Ltmp0, $4  }
0x14: {  	[tilespmem:s21+$0x2830] =	vst v0  }
0x15: {  	[tilespmem:s21+$0x2840] =	vst v0  }
0x16: {  	[tilespmem:s21+$0x2850] =	vst v0  }
0x17: {  	[tilespmem:s21+$0x2860] =	vst v0;
	s21 =	sshra.s32 s22, $0x2;
	s22 =	sadd.s32 $0x200, s22  }
0x18: {  	[tilespmem:s21+$0x2870] =	vst v0  }
0x19: {  	[tilespmem:s21+$0x2800] =	vst v0  }
0x1a: {  	[tilespmem:s21+$0x2810] =	vst v0  }
0x1b: {  	[tilespmem:s21+$0x2820] =	vst v0  }
0x1c: {  	[tilespmem:s21+$0x2830] =	vst v0  }
0x1d: {  	[tilespmem:s21+$0x2840] =	vst v0  }
0x1e: {  	[tilespmem:s21+$0x2850] =	vst v0  }
0x1f: {  	[tilespmem:s21+$0x2860] =	vst v0;
	s21 =	simm.s32 $0x0;
	s22 =	simm.s32 $0x200  }
.LBB2_4:
0x20: {  	p0 =	sne.s32 s22, $0x7E00;
	[tilespmem:s21+$0x6870] =	vst v1  }
0x21: {  	[tilespmem:s21+$0x6800] =	vst v1  }
0x22: {  	[tilespmem:s21+$0x6810] =	vst v1  }
.Ltmp1:
0x23: {  	[tilespmem:s21+$0x6820] =	vst v1;
	(pc) =	sbr.rel @p0 .LBB2_4-.Ltmp1, $4  }
0x24: {  	[tilespmem:s21+$0x6830] =	vst v1  }
0x25: {  	[tilespmem:s21+$0x6840] =	vst v1  }
0x26: {  	[tilespmem:s21+$0x6850] =	vst v1  }
0x27: {  	[tilespmem:s21+$0x6860] =	vst v1;
	s21 =	sshra.s32 s22, $0x2;
	s22 =	sadd.s32 $0x200, s22  }
0x28: {  	[tilespmem:s21+$0x6870] =	vst v1  }
0x29: {  	[tilespmem:s21+$0x6800] =	vst v1  }
0x2a: {  	[tilespmem:s21+$0x6810] =	vst v1  }
0x2b: {  	[tilespmem:s21+$0x6820] =	vst v1  }
0x2c: {  	[tilespmem:s21+$0x6830] =	vst v1  }
0x2d: {  	[tilespmem:s21+$0x6840] =	vst v1  }
0x2e: {  	[tilespmem:s21+$0x6850] =	vst v1  }
0x2f: {  	[tilespmem:s21+$0x6860] =	vst v1  }
0x30: {  	[spmem:s4] =	stream.linear.scatter [tilespmem:s17], [sflag:$0x1], $0x2000, $0x38;
	[tilespmem:$0x1C800] =	vst v63  }
0x31: {  	_ =	swait.ge [sflag:s18], $0x2000  }
0x32: {  	[sflag:s18] =	ssyncset.done $0x0  }
0x33: {  	[sflag:s18] =	ssyncadd.s32 $0xFFFFE000  }
0x34: {  	[spmem:s8] =	stream.linear.scatter [tilespmem:s17], [sflag:$0x1], $0x2000, $0x38;
	[tilespmem:$0x1C800] =	vst v63  }
0x35: {  	_ =	swait.ge [sflag:s18], $0x2000  }
0x36: {  	[sflag:s18] =	ssyncset.done $0x0  }
0x37: {  	[sflag:s18] =	ssyncadd.s32 $0xFFFFE000  }
0x38: {  	[spmem:s9] =	stream.linear.scatter [tilespmem:s17], [sflag:$0x1], $0x2000, $0x38;
	[tilespmem:$0x1C800] =	vst v63  }
0x39: {  	_ =	swait.ge [sflag:s18], $0x2000  }
0x3a: {  	[sflag:s18] =	ssyncset.done $0x0  }
0x3b: {  	[sflag:s18] =	ssyncadd.s32 $0xFFFFE000  }
0x3c: {  	[spmem:s10] =	stream.linear.scatter [tilespmem:s17], [sflag:$0x1], $0x2000, $0x38;
	[tilespmem:$0x1C800] =	vst v63  }
0x3d: {  	_ =	swait.ge [sflag:s18], $0x2000  }
0x3e: {  	[sflag:s18] =	ssyncset.done $0x0  }
0x3f: {  	[sflag:s18] =	ssyncadd.s32 $0xFFFFE000  }
0x40: {  	[spmem:s11] =	stream.linear.scatter [tilespmem:s17], [sflag:$0x1], $0x2000, $0x38;
	[tilespmem:$0x1C800] =	vst v63  }
0x41: {  	_ =	swait.ge [sflag:s18], $0x2000  }
0x42: {  	[sflag:s18] =	ssyncset.done $0x0  }
0x43: {  	[sflag:s18] =	ssyncadd.s32 $0xFFFFE000  }
0x44: {  	[spmem:s12] =	stream.linear.scatter [tilespmem:s17], [sflag:$0x1], $0x2000, $0x38;
	[tilespmem:$0x1C800] =	vst v63  }
0x45: {  	_ =	swait.ge [sflag:s18], $0x2000  }
0x46: {  	[sflag:s18] =	ssyncset.done $0x0  }
0x47: {  	[sflag:s18] =	ssyncadd.s32 $0xFFFFE000  }
0x48: {  	[spmem:s13] =	stream.linear.scatter [tilespmem:s17], [sflag:$0x1], $0x2000, $0x38;
	[tilespmem:$0x1C800] =	vst v63  }
0x49: {  	_ =	swait.ge [sflag:s18], $0x2000  }
0x4a: {  	[sflag:s18] =	ssyncset.done $0x0  }
0x4b: {  	[sflag:s18] =	ssyncadd.s32 $0xFFFFE000  }
0x4c: {  	[spmem:s14] =	stream.linear.scatter [tilespmem:s17], [sflag:$0x1], $0x2000, $0x38;
	[tilespmem:$0x1C800] =	vst v63  }
0x4d: {  	_ =	swait.ge [sflag:s18], $0x2000  }
0x4e: {  	[sflag:s18] =	ssyncset.done $0x0  }
0x4f: {  	[sflag:s18] =	ssyncadd.s32 $0xFFFFE000  }
0x50: {  	[spmem:s15] =	stream.linear.scatter [tilespmem:s17], [sflag:$0x1], $0x2000, $0x38;
	[tilespmem:$0x1C800] =	vst v63  }
0x51: {  	_ =	swait.ge [sflag:s18], $0x2000  }
0x52: {  	[sflag:s18] =	ssyncset.done $0x0  }
0x53: {  	[sflag:s18] =	ssyncadd.s32 $0xFFFFE000  }
0x54: {  	[spmem:s16] =	stream.linear.scatter [tilespmem:s17], [sflag:$0x1], $0x2000, $0x38;
	[tilespmem:$0x1C800] =	vst v63  }
0x55: {  	_ =	swait.ge [sflag:s18], $0x2000  }
0x56: {  	[sflag:s18] =	ssyncset.done $0x0  }
0x57: {  	[sflag:s18] =	ssyncadd.s32 $0xFFFFE000  }
0x58: {  	s30 =	simm.s32 $0x0;
	[bflag:$0x0] =	sbarrier.arrive $0xFFFF  }
0x59: {  	[tilespmem:s30], [sflag:$0x1] =	stream.linear.gather [hbm4b:s5+s30], $0x2800, $0x38;
	[tilespmem:$0x1C800] =	vst v63  }
0x5a: {  	_ =	swait.ge [sflag:s18], $0x2800  }
0x5b: {  	[sflag:s18] =	ssyncset.done $0x0  }
0x5c: {  	s31 =	simm.s32 $0x0;
	[sflag:s18] =	ssyncadd.s32 $0xFFFFD800  }
0x5d: {  	[spmem:s2] =	stream.indirect.scatter.add.f32 [tilespmem:s20], [sflag:$0x1], $0x80, s31, s19, $0xb8;
	[tilespmem:$0x1C800] =	vst v63  }
0x5e: {  	_ =	swait.ge [sflag:s18], $0x4000  }
0x5f: {  	s21 =	simm.s32 $0x200;
	[sflag:s18] =	ssyncset.done $0x0  }
.LBB2_6:
0x60: {  	s22 =	sshra.s32 s21, $0x2;
	[sflag:s18] =	ssyncadd.s32 $0xFFFFC000;
	p0 =	sne.s32 s21, $0x9E00  }
0x61: {  	[spmem:s2] =	stream.indirect.scatter.add.f32 [tilespmem:s20], [sflag:$0x1], $0x80, s22, s19, $0xb8;
	[tilespmem:$0x1C800] =	vst v63  }
.Ltmp2:
0x62: {  	_ = 	snop;
	(pc) =	sbr.rel @p0 .LBB2_6-.Ltmp2, $4  }
0x63: {  	_ = 	snop  }
0x64: {  	s21 =	sadd.s32 $0x200, s21  }
0x65: {  	_ =	swait.ge [sflag:s18], $0x4000  }
0x66: {  	[sflag:s18] =	ssyncset.done $0x0  }
0x67: {  	[sflag:s18] =	ssyncadd.s32 $0xFFFFC000;
	s3 =	sadd.s32 $0x1, s3  }
0x68: {  	s21 =	sshll.u32 s1, $0x6;
	s22 =	sshrl.u32 s4, $0x3;
	p0 =	sne.s32 s3, s7  }
.Ltmp3:
0x69: {  	[bflag:$0x0] =	sbarrier.arrive $0xFFFF;
	s21 =	sor.u32 $0x1C01, s21;
	(pc) =	sbr.rel @p0 .LBB2_1-.Ltmp3, $4  }
0x6a: {  	[hbm:s6], [sflag:s21] =	dma.local [spmem:s22], $0x2800  }
0x6b: {  	_ =	swait.ge [sflag:s18], $0x2800  }
0x6c: {  	[sflag:s18] =	ssyncset.done $0x0  }
0x6d: {  	[sflag:s18] =	ssyncadd.s32 $0xFFFFD800  }
0x6e: {  	_ =	sfence.sel $0x180000  }
0x6f: {  	[bflag:$0x0] =	sbarrier.arrive $0xFFFF  }
0x70: {  	p0 =	sne.s32 s1, $0x0;
	_ =	strace $0x90000047  }
0x71: {  	s0 =	sadd.s32 @!p0 $0x100000, s0;
	[bflag:$0x2] =	sbarrier.arrive $0xFFFF  }
0x72: {  	[sflag:s0] =	ssyncadd.tile.s32 @!p0 $0x1;
	_ =	shalt  }
.Lfunc_end2:
_tile_overlayer_lowered:
.L_overlay_start_2:
0x73: {  	(tag) =	ssettag $0x2  }
0x74: {  	s0 =	rddreg [dreg:$0x0];
	s2 =	stileid.u32  }
0x75: {  	s1 =	rddreg [dreg:$0x1];
	p0 =	sne.s32 s2, $0x0  }
0x76: {  	s3 =	rddreg [dreg:$0x2];
	[bflag:$0x3] =	sbarrier.arrive $0xFFFF;
	s2 =	simm.s32 @!p0 $0x1C01  }
0x77: {  	[timem:s3], [sflag:s2] =	dma.local @!p0 [hbm:s0], s1  }
0x78: {  	s0 =	simm.s32 @!p0 $0x1  }
0x79: {  	_ =	swait.ge @!p0 [sflag:s0], s1  }
0x7a: {  	s1 =	ssub.s32 @!p0 $0x0, s1;
	[sflag:s0] =	ssyncset.done @!p0 $0x0  }
0x7b: {  	[sflag:s0] =	ssyncadd.s32 @!p0 s1  }
0x7c: {  	[bflag:$0x3] =	sbarrier.arrive $0xFFFF  }
0x7d: {  	_ =	shalt  }

// kernel: kernel.9.cloned.1.call-start
scs
__scs_entry_jumppad:
0x0: {  	(pc) =	sbr.rel $0x88, $3  }
0x1: {  	(tag) =	ssettag $0x0;
	lr =	simm.s32 $0x1  }
0x2: {  	[smem:$0x3F9D] =	sst lr;
	_ =	strace $0xD0000000  }
0x3: {  	_ = 	snop  }
0x4: {  	_ = 	snop  }
0x5: {  	_ = 	snop  }
0x6: {  	_ = 	snop  }
0x7: {  	_ = 	snop  }
__scs_overlays_trampoline_lowered:
0x8: {  	[smem:$0x3FAC] =	sst s0  }
0x9: {  	[smem:$0x3FAD] =	sst s1  }
0xa: {  	[smem:$0x3FAE] =	sst s2  }
0xb: {  	[smem:$0x3FAF] =	sst s3  }
0xc: {  	[smem:$0x3FB0] =	sst s4  }
0xd: {  	[smem:$0x3FB1] =	sst s5  }
0xe: {  	[smem:$0x3FB2] =	sst s6  }
0xf: {  	[smem:$0x3FB3] =	sst s7  }
0x10: {  	[smem:$0x3FB4] =	sst s8  }
0x11: {  	[smem:$0x3FB5] =	sst s9;
	s0 =	simm.s32 @!p0 $0x0  }
0x12: {  	s1 =	sld [smem:$0x3F9B];
	s0 =	simm.s32 @p0 $0x1  }
0x13: {  	[smem:$0x3FB6] =	sst s0;
	s0 =	simm.s32 @!p1 $0x0  }
0x14: {  	s2 =	sld [smem:$0x3F9A];
	s0 =	simm.s32 @p1 $0x1  }
0x15: {  	[smem:$0x3FB7] =	sst s0;
	s0 =	simm.s32 @!p2 $0x0  }
0x16: {  	s3 =	sld [smem:$0x3FDB];
	s0 =	simm.s32 @p2 $0x1  }
0x17: {  	s4 =	simm.s32 $0x1BF5;
	[smem:$0x3FB9] =	sst s0  }
0x18: {  	s0 =	sld [smem:$0x3F9C];
	_ =	swait.ge [sflag:s4], $0x0  }
0x19: {  	s7 =	sld [smem:$0x3F9D]  }
0x1a: {  	s8 =	sadd.s32 $0xFFFFE003, lr  }
0x1b: {  	s9 =	sadd.s32 $0xFFFFFEF7, lr;
	s5 =	simm.s32 $0xFFFFFFFF;
	p2 =	slt.u32 s8, $0xFFFFF086  }
0x1c: {  	p1 =	slt.u32 s9, $0xF7A;
	s5 =	simm.s32 @!p2 $0x0  }
0x1d: {  	s5 =	simm.s32 @p1 $0x1;
	p0 =	seq.s32 s7, s2  }
0x1e: {  	s7 =	smul.u32 @!p0 $0xF7A, s2;
	p2 =	seq.s32 @!p0 s5, $0x0  }
0x1f: {  	s9 =	smul.u32 $0xF7A, s1;
	s8 =	simm.s32 @!p0 $0x1BF5;
	p2 =	por !p2, p0  }
0x20: {  	[sflag:s8] =	ssyncset.s32 @!p0 $0xFFFFF086;
	s6 =	sadd.s32 @!p0 s3, s7;
	s7 =	simm.s32 @!p0 $0x108  }
0x21: {  	s3 =	sadd.s32 s3, s9;
	s6 =	sadd.s32 @!p0 $0x88, s6;
	s7 =	simm.s32 @p2 $0x1082  }
0x22: {  	[simem:s7], [sflag:s8] =	dma.local @!p0 [hbm:s6], $0xF7A  }
0x23: {  	s9 =	sor.u32 $0xD0000000, s2;
	s6 =	simm.s32 $0x108;
	_ =	swait.ge @!p0 [sflag:s8], $0x0  }
0x24: {  	s3 =	sadd.s32 $0x88, s3;
	s6 =	simm.s32 @!p1 $0x1082;
	[sflag:s4] =	ssyncset.s32 $0xFFFFF086  }
0x25: {  	[simem:s6], [sflag:s4] =	dma.local [hbm:s3], $0xF7A  }
0x26: {  	[smem:$0x3F9D] =	sst s1;
	(tag) =	ssettag s2;
	_ =	strace s9  }
0x27: {  	s1 =	sld [smem:$0x3FAD]  }
0x28: {  	s2 =	sld [smem:$0x3FAE]  }
0x29: {  	s4 =	sld [smem:$0x3FB0]  }
0x2a: {  	p0 =	seq.s32 s5, $0x0;
	s5 =	sld [smem:$0x3FB1]  }
0x2b: {  	s6 =	sld [smem:$0x3FB2]  }
0x2c: {  	s7 =	sld [smem:$0x3FB3]  }
0x2d: {  	s3 =	simm.s32 $0x108;
	s8 =	sld [smem:$0x3FB4]  }
0x2e: {  	s3 =	simm.s32 @!p0 $0x1082;
	s9 =	sld [smem:$0x3FB5]  }
0x2f: {  	lr =	sadd.s32 s0, s3;
	s0 =	sld [smem:$0x3FAC]  }
0x30: {  	s3 =	sld [smem:$0x3FAF]  }
0x31: {  	[smem:$0x3FB8] =	sst s10  }
0x32: {  	s10 =	sld [smem:$0x3FB6];
	_ =	sdelay $0x3  }
0x33: {  	p0 =	seq.s32 s10, $0x1;
	s10 =	sld [smem:$0x3FB8];
	_ =	sdelay $0x3  }
0x34: {  	[smem:$0x3FB8] =	sst s10  }
0x35: {  	s10 =	sld [smem:$0x3FB7];
	_ =	sdelay $0x3  }
0x36: {  	p1 =	seq.s32 s10, $0x1;
	s10 =	sld [smem:$0x3FB8];
	_ =	sdelay $0x3  }
0x37: {  	[smem:$0x3FB8] =	sst s10  }
0x38: {  	s10 =	sld [smem:$0x3FB9]  }
0x39: {  	_ = 	snop;
	(pc) =	sbr.ind lr, $3  }
0x3a: {  	_ = 	snop  }
0x3b: {  	_ = 	snop  }
0x3c: {  	p2 =	seq.s32 s10, $0x1;
	s10 =	sld [smem:$0x3FB8]  }
0x3d: {  	_ =	shalt  }
0x3e: {  	_ =	shalt  }
0x3f: {  	_ =	shalt  }
0x40: {  	_ =	shalt  }
0x41: {  	_ =	shalt  }
0x42: {  	_ =	shalt  }
0x43: {  	_ =	shalt  }
0x44: {  	_ =	shalt  }
0x45: {  	_ =	shalt  }
0x46: {  	_ =	shalt  }
0x47: {  	_ =	shalt  }
0x48: {  	_ =	shalt  }
0x49: {  	_ =	shalt  }
0x4a: {  	_ =	shalt  }
0x4b: {  	_ =	shalt  }
0x4c: {  	_ =	shalt  }
0x4d: {  	_ =	shalt  }
0x4e: {  	_ =	shalt  }
0x4f: {  	_ =	shalt  }
0x50: {  	_ =	shalt  }
0x51: {  	_ =	shalt  }
0x52: {  	_ =	shalt  }
0x53: {  	_ =	shalt  }
0x54: {  	_ =	shalt  }
0x55: {  	_ =	shalt  }
0x56: {  	_ =	shalt  }
0x57: {  	_ =	shalt  }
0x58: {  	_ =	shalt  }
0x59: {  	_ =	shalt  }
0x5a: {  	_ =	shalt  }
0x5b: {  	_ =	shalt  }
0x5c: {  	_ =	shalt  }
0x5d: {  	_ =	shalt  }
0x5e: {  	_ =	shalt  }
0x5f: {  	_ =	shalt  }
0x60: {  	_ =	shalt  }
0x61: {  	_ =	shalt  }
0x62: {  	_ =	shalt  }
0x63: {  	_ =	shalt  }
0x64: {  	_ =	shalt  }
0x65: {  	_ =	shalt  }
0x66: {  	_ =	shalt  }
0x67: {  	_ =	shalt  }
0x68: {  	_ =	shalt  }
0x69: {  	_ =	shalt  }
0x6a: {  	_ =	shalt  }
0x6b: {  	_ =	shalt  }
0x6c: {  	_ =	shalt  }
0x6d: {  	_ =	shalt  }
0x6e: {  	_ =	shalt  }
0x6f: {  	_ =	shalt  }
0x70: {  	_ =	shalt  }
0x71: {  	_ =	shalt  }
0x72: {  	_ =	shalt  }
0x73: {  	_ =	shalt  }
0x74: {  	_ =	shalt  }
0x75: {  	_ =	shalt  }
0x76: {  	_ =	shalt  }
0x77: {  	_ =	shalt  }
0x78: {  	_ =	shalt  }
0x79: {  	_ =	shalt  }
0x7a: {  	_ =	shalt  }
0x7b: {  	_ =	shalt  }
0x7c: {  	_ =	shalt  }
0x7d: {  	_ =	shalt  }
0x7e: {  	_ =	shalt  }
0x7f: {  	_ =	shalt  }
0x80: {  	_ =	shalt  }
0x81: {  	_ =	shalt  }
0x82: {  	_ =	shalt  }
0x83: {  	_ =	shalt  }
0x84: {  	_ =	shalt  }
0x85: {  	_ =	shalt  }
0x86: {  	_ =	shalt  }
0x87: {  	_ =	shalt  }
.Lfunc_end0:
.L_simem_size_0:
called_computation.1_lowered:
.L_overlay_start_0:
0x88: {  	s2 =	sld [smem:$0x3FD9]  }
0x89: {  	s3 =	sld [smem:$0x3FFE];
	_ =	sdelay $0x1  }
0x8a: {  	s1 =	srdreg.scid  }
0x8b: {  	s0 =	sand.u32 $0x1, s1  }
0x8c: {  	s17 =	sshll.u32 s0, $0xA;
	s2 =	sadd.s32 s3, s2  }
0x8d: {  	s2 =	sadd.s32 s2, s17  }
0x8e: {  	[smem:$0x3FC4] =	sst s2  }
0x8f: {  	_ = 	snop  }
0x90: {  	s2 =	sld [smem:$0x3FD0];
	(tm) =	ssettm $0x1  }
0x91: {  	s18 =	sld [smem:$0x3FFB];
	_ =	sdelay $0x3  }
0x92: {  	_ =	strace s18  }
0x93: {  	s3 =	sld [smem:$0x3FFC];
	_ =	sdelay $0x3  }
0x94: {  	_ =	strace s3  }
0x95: {  	s3 =	sld [smem:$0x3FFD];
	_ =	sdelay $0x3  }
0x96: {  	_ =	strace s3  }
0x97: {  	_ =	strace $0x8FFFFFFF  }
0x98: {  	s19 =	sld [smem:$0x3FDB];
	_ =	sdelay $0x1  }
0x99: {  	s4 =	simm.s32 $_scs_section_size  }
0x9a: {  	s5 =	simm.s32 $_size__tile_overlayer_lowered;
	s6 =	simm.s32 $_tile_overlayer_lowered  }
0x9b: {  	s22 =	simm.s32 $0x1BFF;
	s21 =	sshll.u32 s6, $0x1;
	s3 =	sadd.s32 s4, s19  }
0x9c: {  	s7 =	simm.s32 $0x0;
	s20 =	sshll.u32 s5, $0x1;
	s5 =	sadd.s32 s21, s3  }
0x9d: {  	[timem:s7], [sflag:s22] =	dma.local [hbm:s5], s20  }
0x9e: {  	_ =	swait.ge [sflag:s22], s20  }
0x9f: {  	s4 =	ssub.s32 $0x0, s20;
	[sflag:s22] =	ssyncset.done $0x0  }
0xa0: {  	[sflag:s22] =	ssyncadd.s32 s4;
	_ =	sdelay $0x1  }
0xa1: {  	s23 =	simm.s32 $0x1B8B  }
0xa2: {  	_ =	swait.ge [sflag:s23], $0x1  }
0xa3: {  	[sflag:s23] =	ssyncset.done $0x0  }
0xa4: {  	s25 =	simm.s32 $0x1B8E;
	s24 =	sld [smem:$0x3FFE];
	[sflag:s23] =	ssyncadd.s32 $0xFFFFFFFF  }
0xa5: {  	s26 =	simm.s32 $execute0_lowered;
	[smem:$0x3FD2] =	sst s25  }
0xa6: {  	s5 =	sshll.u32 s26, $0x1;
	_ =	strace $0x80000049;
	[dreg:$0x1] =	wrdreg $0xFFFFFFFF  }
0xa7: {  	s28 =	simm.s32 $_size_execute0_lowered;
	s3 =	sadd.s32 s3, s5;
	[dreg:$0x0] =	wrdreg $0x0  }
0xa8: {  	s5 =	sshll.u32 s28, $0x1;
	[dreg:$0x2] =	wrdreg s3  }
0xa9: {  	[dreg:$0x3] =	wrdreg s5  }
0xaa: {  	[dreg:$0x4] =	wrdreg $0xC0  }
0xab: {  	_ =	task [dreg:s7], $0x5FFFF  }
0xac: {  	[dreg:$0x1] =	wrdreg $0xFFFFFFFF  }
0xad: {  	[dreg:$0x0] =	wrdreg $0x60  }
0xae: {  	[dreg:$0x2] =	wrdreg s2  }
0xaf: {  	[dreg:$0x3] =	wrdreg s24  }
0xb0: {  	[dreg:$0x4] =	wrdreg $0x90000  }
0xb1: {  	[dreg:$0x5] =	wrdreg $0x9  }
0xb2: {  	_ =	task.clear_ibuf [dreg:s7], $0x6FFFF;
	_ =	strace $0x90000049  }
0xb3: {  	s29 =	simm.s32 $0x9;
	_ =	strace $0x8000004B  }
0xb4: {  	_ =	swait.ge [sflag:s29], $0x1  }
0xb5: {  	[sflag:s29] =	ssyncadd.s32 $0xFFFFFFFF  }
0xb6: {  	_ =	strace $0x9000004B  }
0xb7: {  	_ =	sfence  }
0xb8: {  	s30 =	sld [smem:$0x0];
	_ =	sdelay $0x2  }
0xb9: {  	s31 =	sshll.u32 s1, $0xD;
	s1 =	sshrl.u32 s1, $0x2  }
0xba: {  	s3 =	sand.u32 $0x4000, s31;
	s1 =	sadd.s32 s1, s30  }
0xbb: {  	s0 =	sor.u32 s3, s0;
	s1 =	sshll.u32 s1, $0x11  }
0xbc: {  	s0 =	sor.u32 s1, s0  }
0xbd: {  	s0 =	sadd.s32 $0x8F2B, s0  }
0xbe: {  	[sflag:s0] =	ssyncadd.remote.s32 $0x1  }
0xbf: {  	_ =	sfence.sel $0xFFFF  }
0xc0: {  	[dreg:$0x0] =	wrdreg $0xFFFFFFFF;
	(pc) =	sbr.abs _section_cstart, $3  }
0xc1: {  	[dreg:$0x1] =	wrdreg $0xFFFFFFFF  }
0xc2: {  	_ =	task.clear_ibuf [dreg:s7], $0x2FFFF;
	_ =	strace $0x9FFFFFFF  }
0xc3: {  	(tm) =	ssettm $0x7FFFFFFF  }
tec
execute0_lowered:
.L_overlay_start_1:
0x0: {  	(tag) =	ssettag $0x1  }
0x1: {  	s0 =	rddreg [dreg:$0x0]  }
0x2: {  	s1 =	rddreg [dreg:$0x1]  }
0x3: {  	s2 =	srdreg.scid;
	s3 =	rddreg [dreg:$0x2]  }
0x4: {  	s20 =	stileid.u32;
	s4 =	simm.s32 $0x0;
	s12 =	simm.s32 $0x8800  }
0x5: {  	s13 =	simm.s32 $0x4;
	s14 =	simm.s32 $0x400;
	s15 =	simm.s32 $0x80  }
0x6: {  	s16 =	simm.s32 $0x800;
	s17 =	simm.s32 $0x4800;
	s18 =	simm.s32 $0x1  }
0x7: {  	s28 =	simm.s32 $0x280;
	s29 =	simm.s32 $0x600;
	s30 =	simm.s32 $0x680  }
0x8: {  	s31 =	simm.s32 $0x300;
	s2 =	sand.u32 $0x1, s2;
	s6 =	smul.u32 $0x14000, s20  }
0x9: {  	[smem:$0x7FF] =	sst s4;
	s7 =	sadd.s32 $0x1C00, s1;
	s8 =	smul.u32 $0x50000, s20  }
0xa: {  	s9 =	sadd.s32 $0xBC00, s1;
	s23 =	sshll.u32 s20, $0x7;
	s11 =	smul.u32 $0x980, s20  }
0xb: {  	s5 =	smul.u32 $0x140000, s2;
	_ =	strace $0x8000004A;
	s19 =	ssub.s32 $0x2, s2  }
0xc: {  	p0 =	seq.s32 s2, $0x1;
	s21 =	sshrl.u32 s19, $0x1;
	s22 =	sshrl.u32 s8, $0x2  }
0xd: {  	s8 =	sor.u32 $0x9800, s23;
	s10 =	sadd.s32 s11, s9;
	s11 =	sadd.s32 s11, s7  }
0xe: {  	s23 =	simm.s32 $0x180;
	s5 =	sadd.s32 s6, s5;
	s6 =	ssub.s32 s19, s21  }
0xf: {  	s24 =	sadd.s32 s7, s8;
	s25 =	sadd.s32 s9, s8;
	s19 =	simm.s32 $0x2  }
0x10: {  	s21 =	simm.s32 $0x3;
	s7 =	simm.s32 $0x780;
	s9 =	simm.s32 $0x0  }
.Ltmp0:
0x11: {  	s5 =	sshrl.u32 s5, $0x3;
	[dreg:$0x4] =	wrdreg s24;
	(pc) =	sbr.rel .LBB2_1-.Ltmp0, $4  }
0x12: {  	[dreg:$0x5] =	wrdreg s25;
	s26 =	smax.u32 s6, $0x1;
	s24 =	simm.s32 $0x500  }
0x13: {  	s25 =	simm.s32 $0x580;
	s6 =	simm.s32 $0x700;
	s1 =	sadd.s32 s5, s1  }
0x14: {  	s5 =	sadd.s32 s22, s3;
	[dreg:$0x7] =	wrdreg s26;
	s22 =	sadd.s32 $0x65C00, s1  }
0x15: {  	v0 =	vimm.f32 $0.0e+00;
	s26 =	simm.s32 $0x200;
	s1 =	simm.s32 $0x380;
	[dreg:$0x6] =	wrdreg s22  }
.LBB2_9:
0x16: {  	s2 =	rddreg [dreg:$0x4]  }
0x17: {  	[tilespmem:s4], [sflag:$0x4] =	stream.linear.gather [hbm4b:s2+s4], $0x400, $0x38;
	[tilespmem:$0x1D000] =	vst v63  }
0x18: {  	_ =	swait.ge [sflag:s13], $0x400  }
0x19: {  	[sflag:s13] =	ssyncset.done $0x0  }
0x1a: {  	s9 =	rddreg [dreg:$0x5];
	[sflag:s13] =	ssyncadd.s32 $0xFFFFFC00  }
0x1b: {  	[tilespmem:s14], [sflag:$0x4] =	stream.linear.gather [hbm4b:s9+s4], $0x400, $0x38;
	[tilespmem:$0x1D000] =	vst v63  }
0x1c: {  	_ =	swait.ge [sflag:s13], $0x400  }
0x1d: {  	[sflag:s13] =	ssyncset.done $0x0  }
0x1e: {  	[sflag:s13] =	ssyncadd.s32 $0xFFFFFC00  }
0x1f: {  	[tilespmem:s16], [sflag:$0x1] =	stream.indirect.gather [hbm4b:s0+s15], $0x80, s4, s15, $0xb8;
	[tilespmem:$0x1D000] =	vst v63  }
0x20: {  	_ = 	snop  }
0x21: {  	[tilespmem:s17], [sflag:$0x2] =	stream.indirect.gather [hbm4b:s0+s15], $0x80, s15, s15, $0xb8;
	[tilespmem:$0x1D000] =	vst v63  }
0x22: {  	_ =	swait.ge [sflag:s18], $0x4000  }
0x23: {  	[sflag:s18] =	ssyncset.done $0x0  }
0x24: {  	[sflag:s18] =	ssyncadd.s32 $0xFFFFC000  }
0x25: {  	[spmem:s3] =	stream.indirect.scatter.add.f32 [tilespmem:s16], [sflag:$0x3], $0x80, s14, s15, $0xb8;
	[tilespmem:$0x1D000] =	vst v63  }
0x26: {  	_ =	swait.ge [sflag:s19], $0x4000  }
0x27: {  	[sflag:s19] =	ssyncset.done $0x0  }
0x28: {  	s8 =	simm.s32 $0x480;
	[sflag:s19] =	ssyncadd.s32 $0xFFFFC000  }
0x29: {  	[spmem:s3] =	stream.indirect.scatter.add.f32 [tilespmem:s17], [sflag:$0x3], $0x80, s8, s15, $0xb8;
	[tilespmem:$0x1D000] =	vst v63  }
0x2a: {  	_ =	swait.ge [sflag:s21], $0x4000  }
0x2b: {  	[sflag:s21] =	ssyncset.done $0x0  }
0x2c: {  	[sflag:s21] =	ssyncadd.s32 $0xFFFFC000  }
0x2d: {  	_ =	swait.ge [sflag:s21], $0x4000  }
0x2e: {  	[sflag:s21] =	ssyncset.done $0x0  }
0x2f: {  	s9 =	simm.s32 $0x100;
	[sflag:s21] =	ssyncadd.s32 $0xFFFFC000  }
0x30: {  	[tilespmem:s16], [sflag:$0x1] =	stream.indirect.gather [hbm4b:s0+s15], $0x80, s9, s15, $0xb8;
	[tilespmem:$0x1D000] =	vst v63  }
0x31: {  	_ = 	snop  }
0x32: {  	[tilespmem:s17], [sflag:$0x2] =	stream.indirect.gather [hbm4b:s0+s15], $0x80, s23, s15, $0xb8;
	[tilespmem:$0x1D000] =	vst v63  }
0x33: {  	_ =	swait.ge [sflag:s18], $0x4000  }
0x34: {  	[sflag:s18] =	ssyncset.done $0x0  }
0x35: {  	[sflag:s18] =	ssyncadd.s32 $0xFFFFC000  }
0x36: {  	[spmem:s3] =	stream.indirect.scatter.add.f32 [tilespmem:s16], [sflag:$0x3], $0x80, s24, s15, $0xb8;
	[tilespmem:$0x1D000] =	vst v63  }
0x37: {  	_ =	swait.ge [sflag:s19], $0x4000  }
0x38: {  	[sflag:s19] =	ssyncset.done $0x0  }
0x39: {  	[sflag:s19] =	ssyncadd.s32 $0xFFFFC000  }
0x3a: {  	[spmem:s3] =	stream.indirect.scatter.add.f32 [tilespmem:s17], [sflag:$0x3], $0x80, s25, s15, $0xb8;
	[tilespmem:$0x1D000] =	vst v63  }
0x3b: {  	_ =	swait.ge [sflag:s21], $0x4000  }
0x3c: {  	[sflag:s21] =	ssyncset.done $0x0  }
0x3d: {  	[sflag:s21] =	ssyncadd.s32 $0xFFFFC000  }
0x3e: {  	_ =	swait.ge [sflag:s21], $0x4000  }
0x3f: {  	[sflag:s21] =	ssyncset.done $0x0  }
0x40: {  	[sflag:s21] =	ssyncadd.s32 $0xFFFFC000  }
0x41: {  	[tilespmem:s16], [sflag:$0x1] =	stream.indirect.gather [hbm4b:s0+s15], $0x80, s26, s15, $0xb8;
	[tilespmem:$0x1D000] =	vst v63  }
0x42: {  	_ = 	snop  }
0x43: {  	[tilespmem:s17], [sflag:$0x2] =	stream.indirect.gather [hbm4b:s0+s15], $0x80, s28, s15, $0xb8;
	[tilespmem:$0x1D000] =	vst v63  }
0x44: {  	_ =	swait.ge [sflag:s18], $0x4000  }
0x45: {  	[sflag:s18] =	ssyncset.done $0x0  }
0x46: {  	[sflag:s18] =	ssyncadd.s32 $0xFFFFC000  }
0x47: {  	[spmem:s3] =	stream.indirect.scatter.add.f32 [tilespmem:s16], [sflag:$0x3], $0x80, s29, s15, $0xb8;
	[tilespmem:$0x1D000] =	vst v63  }
0x48: {  	_ =	swait.ge [sflag:s19], $0x4000  }
0x49: {  	[sflag:s19] =	ssyncset.done $0x0  }
0x4a: {  	[sflag:s19] =	ssyncadd.s32 $0xFFFFC000  }
0x4b: {  	[spmem:s3] =	stream.indirect.scatter.add.f32 [tilespmem:s17], [sflag:$0x3], $0x80, s30, s15, $0xb8;
	[tilespmem:$0x1D000] =	vst v63  }
0x4c: {  	_ =	swait.ge [sflag:s21], $0x4000  }
0x4d: {  	[sflag:s21] =	ssyncset.done $0x0  }
0x4e: {  	[sflag:s21] =	ssyncadd.s32 $0xFFFFC000  }
0x4f: {  	_ =	swait.ge [sflag:s21], $0x4000  }
0x50: {  	[sflag:s21] =	ssyncset.done $0x0  }
0x51: {  	[sflag:s21] =	ssyncadd.s32 $0xFFFFC000  }
0x52: {  	[tilespmem:s16], [sflag:$0x1] =	stream.indirect.gather [hbm4b:s0+s15], $0x80, s31, s15, $0xb8;
	[tilespmem:$0x1D000] =	vst v63  }
0x53: {  	_ = 	snop  }
0x54: {  	[tilespmem:s17], [sflag:$0x2] =	stream.indirect.gather [hbm4b:s0+s15], $0x80, s1, s15, $0xb8;
	[tilespmem:$0x1D000] =	vst v63  }
0x55: {  	_ =	swait.ge [sflag:s18], $0x4000  }
0x56: {  	[sflag:s18] =	ssyncset.done $0x0  }
0x57: {  	[sflag:s18] =	ssyncadd.s32 $0xFFFFC000  }
0x58: {  	[spmem:s3] =	stream.indirect.scatter.add.f32 [tilespmem:s16], [sflag:$0x3], $0x80, s6, s15, $0xb8;
	[tilespmem:$0x1D000] =	vst v63  }
0x59: {  	_ =	swait.ge [sflag:s19], $0x4000  }
0x5a: {  	[sflag:s19] =	ssyncset.done $0x0  }
0x5b: {  	[sflag:s19] =	ssyncadd.s32 $0xFFFFC000  }
0x5c: {  	[spmem:s3] =	stream.indirect.scatter.add.f32 [tilespmem:s17], [sflag:$0x3], $0x80, s7, s15, $0xb8;
	[tilespmem:$0x1D000] =	vst v63  }
0x5d: {  	_ =	swait.ge [sflag:s21], $0x4000  }
0x5e: {  	[sflag:s21] =	ssyncset.done $0x0  }
0x5f: {  	[sflag:s21] =	ssyncadd.s32 $0xFFFFC000  }
0x60: {  	_ =	swait.ge [sflag:s21], $0x4000  }
0x61: {  	[sflag:s21] =	ssyncset.done $0x0  }
0x62: {  	s9 =	rddreg [dreg:$0x8];
	[sflag:s21] =	ssyncadd.s32 $0xFFFFC000  }
.LBB2_10:
0x63: {  	s2 =	sshll.u32 s20, $0x6  }
0x64: {  	[bflag:$0x0] =	sbarrier.arrive $0xFFFF;
	s8 =	sshrl.u32 s5, $0x3;
	s2 =	sor.u32 $0x1C04, s2  }
0x65: {  	[hbm:s22], [sflag:s2] =	dma.local [spmem:s8], $0x2800  }
0x66: {  	_ =	swait.ge [sflag:s13], $0x2800  }
0x67: {  	s9 =	sadd.s32 $0x1, s9;
	s8 =	rddreg [dreg:$0x7]  }
0x68: {  	p1 =	sne.s32 s9, s8  }
.Ltmp1:
0x69: {  	_ = 	snop;
	(pc) =	sbr.rel @!p1 .LBB2_11-.Ltmp1, $3  }
0x6a: {  	_ =	sdelay $0x1  }
0x6b: {  	[sflag:s13] =	ssyncset.done $0x0  }
0x6c: {  	[sflag:s13] =	ssyncadd.s32 $0xFFFFD800  }
.LBB2_1:
0x6d: {  	[dreg:$0x8] =	wrdreg s9;
	s8 =	simm.s32 $0x0;
	s9 =	simm.s32 $0x200  }
.LBB2_2:
0x6e: {  	p1 =	sne.s32 s9, $0x1E00;
	[tilespmem:s8+$0x8870] =	vst v0  }
0x6f: {  	[tilespmem:s8+$0x8800] =	vst v0  }
0x70: {  	[tilespmem:s8+$0x8810] =	vst v0  }
.Ltmp2:
0x71: {  	[tilespmem:s8+$0x8820] =	vst v0;
	(pc) =	sbr.rel @p1 .LBB2_2-.Ltmp2, $4  }
0x72: {  	[tilespmem:s8+$0x8830] =	vst v0  }
0x73: {  	[tilespmem:s8+$0x8840] =	vst v0  }
0x74: {  	[tilespmem:s8+$0x8850] =	vst v0  }
0x75: {  	[tilespmem:s8+$0x8860] =	vst v0;
	s8 =	sshra.s32 s9, $0x2;
	s9 =	sadd.s32 $0x200, s9  }
0x76: {  	[tilespmem:s8+$0x8870] =	vst v0  }
0x77: {  	[tilespmem:s8+$0x8800] =	vst v0  }
0x78: {  	[tilespmem:s8+$0x8810] =	vst v0  }
0x79: {  	[tilespmem:s8+$0x8820] =	vst v0  }
0x7a: {  	[tilespmem:s8+$0x8830] =	vst v0  }
0x7b: {  	[tilespmem:s8+$0x8840] =	vst v0  }
0x7c: {  	[tilespmem:s8+$0x8850] =	vst v0  }
0x7d: {  	[tilespmem:s8+$0x8860] =	vst v0;
	s2 =	sadd.s32 $0x0, s5  }
0x7e: {  	[spmem:s2] =	stream.linear.scatter [tilespmem:s12], [sflag:$0x4], $0x800, $0x38;
	[tilespmem:$0x1D000] =	vst v63  }
0x7f: {  	s8 =	simm.s32 $0x2000;
	_ =	swait.ge [sflag:s13], $0x800  }
.LBB2_4:
0x80: {  	s2 =	sshra.s32 s8, $0x2;
	[sflag:s13] =	ssyncset.done $0x0;
	p1 =	sne.s32 s8, $0x4E000  }
.Ltmp3:
0x81: {  	s2 =	sadd.s32 s2, s5;
	[sflag:s13] =	ssyncadd.s32 $0xFFFFF800;
	(pc) =	sbr.rel @p1 .LBB2_4-.Ltmp3, $3  }
0x82: {  	[spmem:s2] =	stream.linear.scatter [tilespmem:s12], [sflag:$0x4], $0x800, $0x38;
	[tilespmem:$0x1D000] =	vst v63  }
0x83: {  	s8 =	sadd.s32 $0x2000, s8;
	_ =	sdelay $0x1  }
0x84: {  	_ =	swait.ge [sflag:s13], $0x800  }
.Ltmp4:
0x85: {  	(pc) =	sbr.rel @p0 .LBB2_9-.Ltmp4, $3  }
0x86: {  	[sflag:s13] =	ssyncset.done $0x0  }
0x87: {  	[sflag:s13] =	ssyncadd.s32 $0xFFFFF800  }
0x88: {  	[bflag:$0x0] =	sbarrier.arrive $0xFFFF;
	_ =	sdelay $0x1  }
0x89: {  	s2 =	sadd.s32 $0x0, s11  }
0x8a: {  	[tilespmem:s4], [sflag:$0x4] =	stream.linear.gather [hbm4b:s2+s4], $0x400, $0x38;
	[tilespmem:$0x1D000] =	vst v63  }
0x8b: {  	_ =	swait.ge [sflag:s13], $0x400  }
0x8c: {  	[sflag:s13] =	ssyncset.done $0x0  }
0x8d: {  	s9 =	sadd.s32 $0x0, s10;
	[sflag:s13] =	ssyncadd.s32 $0xFFFFFC00  }
0x8e: {  	[tilespmem:s14], [sflag:$0x4] =	stream.linear.gather [hbm4b:s9+s4], $0x400, $0x38;
	[tilespmem:$0x1D000] =	vst v63  }
0x8f: {  	_ =	swait.ge [sflag:s13], $0x400  }
0x90: {  	[sflag:s13] =	ssyncset.done $0x0  }
0x91: {  	[sflag:s13] =	ssyncadd.s32 $0xFFFFFC00  }
0x92: {  	[tilespmem:s16], [sflag:$0x1] =	stream.indirect.gather [hbm4b:s0+s15], $0x80, s4, s15, $0xb8;
	[tilespmem:$0x1D000] =	vst v63  }
0x93: {  	_ = 	snop  }
0x94: {  	[tilespmem:s17], [sflag:$0x2] =	stream.indirect.gather [hbm4b:s0+s15], $0x80, s15, s15, $0xb8;
	[tilespmem:$0x1D000] =	vst v63  }
0x95: {  	_ =	swait.ge [sflag:s18], $0x4000  }
0x96: {  	[sflag:s18] =	ssyncset.done $0x0  }
0x97: {  	[sflag:s18] =	ssyncadd.s32 $0xFFFFC000  }
0x98: {  	[spmem:s3] =	stream.indirect.scatter.add.f32 [tilespmem:s16], [sflag:$0x3], $0x80, s14, s15, $0xb8;
	[tilespmem:$0x1D000] =	vst v63  }
0x99: {  	_ =	swait.ge [sflag:s19], $0x4000  }
0x9a: {  	[sflag:s19] =	ssyncset.done $0x0  }
0x9b: {  	s20 =	simm.s32 $0x480;
	[sflag:s19] =	ssyncadd.s32 $0xFFFFC000  }
0x9c: {  	[spmem:s3] =	stream.indirect.scatter.add.f32 [tilespmem:s17], [sflag:$0x3], $0x80, s20, s15, $0xb8;
	[tilespmem:$0x1D000] =	vst v63  }
0x9d: {  	_ =	swait.ge [sflag:s21], $0x4000  }
0x9e: {  	[sflag:s21] =	ssyncset.done $0x0  }
0x9f: {  	[sflag:s21] =	ssyncadd.s32 $0xFFFFC000  }
0xa0: {  	_ =	swait.ge [sflag:s21], $0x4000  }
0xa1: {  	[sflag:s21] =	ssyncset.done $0x0  }
0xa2: {  	s22 =	simm.s32 $0x100;
	[sflag:s21] =	ssyncadd.s32 $0xFFFFC000  }
0xa3: {  	[tilespmem:s16], [sflag:$0x1] =	stream.indirect.gather [hbm4b:s0+s15], $0x80, s22, s15, $0xb8;
	[tilespmem:$0x1D000] =	vst v63  }
0xa4: {  	_ = 	snop  }
0xa5: {  	[tilespmem:s17], [sflag:$0x2] =	stream.indirect.gather [hbm4b:s0+s15], $0x80, s23, s15, $0xb8;
	[tilespmem:$0x1D000] =	vst v63  }
0xa6: {  	_ =	swait.ge [sflag:s18], $0x4000  }
0xa7: {  	[sflag:s18] =	ssyncset.done $0x0  }
0xa8: {  	[sflag:s18] =	ssyncadd.s32 $0xFFFFC000  }
0xa9: {  	[spmem:s3] =	stream.indirect.scatter.add.f32 [tilespmem:s16], [sflag:$0x3], $0x80, s24, s15, $0xb8;
	[tilespmem:$0x1D000] =	vst v63  }
0xaa: {  	_ =	swait.ge [sflag:s19], $0x4000  }
0xab: {  	[sflag:s19] =	ssyncset.done $0x0  }
0xac: {  	[sflag:s19] =	ssyncadd.s32 $0xFFFFC000  }
0xad: {  	[spmem:s3] =	stream.indirect.scatter.add.f32 [tilespmem:s17], [sflag:$0x3], $0x80, s25, s15, $0xb8;
	[tilespmem:$0x1D000] =	vst v63  }
0xae: {  	_ =	swait.ge [sflag:s21], $0x4000  }
0xaf: {  	[sflag:s21] =	ssyncset.done $0x0  }
0xb0: {  	[sflag:s21] =	ssyncadd.s32 $0xFFFFC000  }
0xb1: {  	_ =	swait.ge [sflag:s21], $0x4000  }
0xb2: {  	[sflag:s21] =	ssyncset.done $0x0  }
0xb3: {  	[sflag:s21] =	ssyncadd.s32 $0xFFFFC000  }
0xb4: {  	[tilespmem:s16], [sflag:$0x1] =	stream.indirect.gather [hbm4b:s0+s15], $0x80, s26, s15, $0xb8;
	[tilespmem:$0x1D000] =	vst v63  }
0xb5: {  	_ = 	snop  }
0xb6: {  	[tilespmem:s17], [sflag:$0x2] =	stream.indirect.gather [hbm4b:s0+s15], $0x80, s28, s15, $0xb8;
	[tilespmem:$0x1D000] =	vst v63  }
0xb7: {  	_ =	swait.ge [sflag:s18], $0x4000  }
0xb8: {  	[sflag:s18] =	ssyncset.done $0x0  }
0xb9: {  	[sflag:s18] =	ssyncadd.s32 $0xFFFFC000  }
0xba: {  	[spmem:s3] =	stream.indirect.scatter.add.f32 [tilespmem:s16], [sflag:$0x3], $0x80, s29, s15, $0xb8;
	[tilespmem:$0x1D000] =	vst v63  }
0xbb: {  	_ =	swait.ge [sflag:s19], $0x4000  }
0xbc: {  	[sflag:s19] =	ssyncset.done $0x0  }
0xbd: {  	[sflag:s19] =	ssyncadd.s32 $0xFFFFC000  }
0xbe: {  	[spmem:s3] =	stream.indirect.scatter.add.f32 [tilespmem:s17], [sflag:$0x3], $0x80, s30, s15, $0xb8;
	[tilespmem:$0x1D000] =	vst v63  }
0xbf: {  	_ =	swait.ge [sflag:s21], $0x4000  }
0xc0: {  	[sflag:s21] =	ssyncset.done $0x0  }
0xc1: {  	[sflag:s21] =	ssyncadd.s32 $0xFFFFC000  }
0xc2: {  	_ =	swait.ge [sflag:s21], $0x4000  }
0xc3: {  	[sflag:s21] =	ssyncset.done $0x0  }
0xc4: {  	[sflag:s21] =	ssyncadd.s32 $0xFFFFC000  }
0xc5: {  	[tilespmem:s16], [sflag:$0x1] =	stream.indirect.gather [hbm4b:s0+s15], $0x80, s31, s15, $0xb8;
	[tilespmem:$0x1D000] =	vst v63  }
0xc6: {  	_ = 	snop  }
0xc7: {  	[tilespmem:s17], [sflag:$0x2] =	stream.indirect.gather [hbm4b:s0+s15], $0x80, s1, s15, $0xb8;
	[tilespmem:$0x1D000] =	vst v63  }
0xc8: {  	_ =	swait.ge [sflag:s18], $0x4000  }
0xc9: {  	[sflag:s18] =	ssyncset.done $0x0  }
0xca: {  	[sflag:s18] =	ssyncadd.s32 $0xFFFFC000  }
0xcb: {  	[spmem:s3] =	stream.indirect.scatter.add.f32 [tilespmem:s16], [sflag:$0x3], $0x80, s6, s15, $0xb8;
	[tilespmem:$0x1D000] =	vst v63  }
0xcc: {  	_ =	swait.ge [sflag:s19], $0x4000  }
0xcd: {  	[sflag:s19] =	ssyncset.done $0x0  }
0xce: {  	[sflag:s19] =	ssyncadd.s32 $0xFFFFC000  }
0xcf: {  	[spmem:s3] =	stream.indirect.scatter.add.f32 [tilespmem:s17], [sflag:$0x3], $0x80, s7, s15, $0xb8;
	[tilespmem:$0x1D000] =	vst v63  }
0xd0: {  	_ =	swait.ge [sflag:s21], $0x4000  }
0xd1: {  	[sflag:s21] =	ssyncset.done $0x0  }
0xd2: {  	[sflag:s21] =	ssyncadd.s32 $0xFFFFC000  }
0xd3: {  	_ =	swait.ge [sflag:s21], $0x4000  }
0xd4: {  	s8 =	simm.s32 $0x80;
	s9 =	simm.s32 $0x100;
	[sflag:s21] =	ssyncset.done $0x0  }
.LBB2_7:
0xd5: {  	s20 =	sadd.s32 s8, s11  }
0xd6: {  	[sflag:s21] =	ssyncadd.s32 $0xFFFFC000;
	s22 =	smov.u32 s9;
	s2 =	sadd.s32 $0x80, s9  }
0xd7: {  	[tilespmem:s4], [sflag:$0x4] =	stream.linear.gather [hbm4b:s20+s4], $0x400, $0x38;
	[tilespmem:$0x1D000] =	vst v63  }
0xd8: {  	s20 =	simm.s32 $0x480  }
0xd9: {  	p1 =	seq.s32 s9, $0x900;
	_ =	swait.ge [sflag:s13], $0x400  }
0xda: {  	s9 =	sadd.s32 s8, s10;
	[sflag:s13] =	ssyncset.done $0x0  }
0xdb: {  	s8 =	smov.u32 s22;
	s22 =	simm.s32 $0x100;
	[sflag:s13] =	ssyncadd.s32 $0xFFFFFC00  }
0xdc: {  	[tilespmem:s14], [sflag:$0x4] =	stream.linear.gather [hbm4b:s9+s4], $0x400, $0x38;
	[tilespmem:$0x1D000] =	vst v63  }
0xdd: {  	_ =	swait.ge [sflag:s13], $0x400  }
0xde: {  	[sflag:s13] =	ssyncset.done $0x0  }
0xdf: {  	[sflag:s13] =	ssyncadd.s32 $0xFFFFFC00  }
0xe0: {  	[tilespmem:s16], [sflag:$0x1] =	stream.indirect.gather [hbm4b:s0+s15], $0x80, s4, s15, $0xb8;
	[tilespmem:$0x1D000] =	vst v63  }
0xe1: {  	_ = 	snop  }
0xe2: {  	[tilespmem:s17], [sflag:$0x2] =	stream.indirect.gather [hbm4b:s0+s15], $0x80, s15, s15, $0xb8;
	[tilespmem:$0x1D000] =	vst v63  }
0xe3: {  	_ =	swait.ge [sflag:s18], $0x4000  }
0xe4: {  	[sflag:s18] =	ssyncset.done $0x0  }
0xe5: {  	[sflag:s18] =	ssyncadd.s32 $0xFFFFC000  }
0xe6: {  	[spmem:s3] =	stream.indirect.scatter.add.f32 [tilespmem:s16], [sflag:$0x3], $0x80, s14, s15, $0xb8;
	[tilespmem:$0x1D000] =	vst v63  }
0xe7: {  	_ =	swait.ge [sflag:s19], $0x4000  }
0xe8: {  	[sflag:s19] =	ssyncset.done $0x0  }
0xe9: {  	[sflag:s19] =	ssyncadd.s32 $0xFFFFC000  }
0xea: {  	[spmem:s3] =	stream.indirect.scatter.add.f32 [tilespmem:s17], [sflag:$0x3], $0x80, s20, s15, $0xb8;
	[tilespmem:$0x1D000] =	vst v63  }
0xeb: {  	_ =	swait.ge [sflag:s21], $0x4000  }
0xec: {  	[sflag:s21] =	ssyncset.done $0x0  }
0xed: {  	[sflag:s21] =	ssyncadd.s32 $0xFFFFC000  }
0xee: {  	_ =	swait.ge [sflag:s21], $0x4000  }
0xef: {  	[sflag:s21] =	ssyncset.done $0x0  }
0xf0: {  	[sflag:s21] =	ssyncadd.s32 $0xFFFFC000  }
0xf1: {  	[tilespmem:s16], [sflag:$0x1] =	stream.indirect.gather [hbm4b:s0+s15], $0x80, s22, s15, $0xb8;
	[tilespmem:$0x1D000] =	vst v63  }
0xf2: {  	_ = 	snop  }
0xf3: {  	[tilespmem:s17], [sflag:$0x2] =	stream.indirect.gather [hbm4b:s0+s15], $0x80, s23, s15, $0xb8;
	[tilespmem:$0x1D000] =	vst v63  }
0xf4: {  	_ =	swait.ge [sflag:s18], $0x4000  }
0xf5: {  	[sflag:s18] =	ssyncset.done $0x0  }
0xf6: {  	[sflag:s18] =	ssyncadd.s32 $0xFFFFC000  }
0xf7: {  	[spmem:s3] =	stream.indirect.scatter.add.f32 [tilespmem:s16], [sflag:$0x3], $0x80, s24, s15, $0xb8;
	[tilespmem:$0x1D000] =	vst v63  }
0xf8: {  	_ =	swait.ge [sflag:s19], $0x4000  }
0xf9: {  	[sflag:s19] =	ssyncset.done $0x0  }
0xfa: {  	[sflag:s19] =	ssyncadd.s32 $0xFFFFC000  }
0xfb: {  	[spmem:s3] =	stream.indirect.scatter.add.f32 [tilespmem:s17], [sflag:$0x3], $0x80, s25, s15, $0xb8;
	[tilespmem:$0x1D000] =	vst v63  }
0xfc: {  	_ =	swait.ge [sflag:s21], $0x4000  }
0xfd: {  	[sflag:s21] =	ssyncset.done $0x0  }
0xfe: {  	[sflag:s21] =	ssyncadd.s32 $0xFFFFC000  }
0xff: {  	_ =	swait.ge [sflag:s21], $0x4000  }
0x100: {  	[sflag:s21] =	ssyncset.done $0x0  }
0x101: {  	[sflag:s21] =	ssyncadd.s32 $0xFFFFC000  }
0x102: {  	[tilespmem:s16], [sflag:$0x1] =	stream.indirect.gather [hbm4b:s0+s15], $0x80, s26, s15, $0xb8;
	[tilespmem:$0x1D000] =	vst v63  }
0x103: {  	_ = 	snop  }
0x104: {  	[tilespmem:s17], [sflag:$0x2] =	stream.indirect.gather [hbm4b:s0+s15], $0x80, s28, s15, $0xb8;
	[tilespmem:$0x1D000] =	vst v63  }
0x105: {  	_ =	swait.ge [sflag:s18], $0x4000  }
0x106: {  	[sflag:s18] =	ssyncset.done $0x0  }
0x107: {  	[sflag:s18] =	ssyncadd.s32 $0xFFFFC000  }
0x108: {  	[spmem:s3] =	stream.indirect.scatter.add.f32 [tilespmem:s16], [sflag:$0x3], $0x80, s29, s15, $0xb8;
	[tilespmem:$0x1D000] =	vst v63  }
0x109: {  	_ =	swait.ge [sflag:s19], $0x4000  }
0x10a: {  	[sflag:s19] =	ssyncset.done $0x0  }
0x10b: {  	[sflag:s19] =	ssyncadd.s32 $0xFFFFC000  }
0x10c: {  	[spmem:s3] =	stream.indirect.scatter.add.f32 [tilespmem:s17], [sflag:$0x3], $0x80, s30, s15, $0xb8;
	[tilespmem:$0x1D000] =	vst v63  }
0x10d: {  	_ =	swait.ge [sflag:s21], $0x4000  }
0x10e: {  	[sflag:s21] =	ssyncset.done $0x0  }
0x10f: {  	[sflag:s21] =	ssyncadd.s32 $0xFFFFC000  }
0x110: {  	_ =	swait.ge [sflag:s21], $0x4000  }
0x111: {  	[sflag:s21] =	ssyncset.done $0x0  }
0x112: {  	[sflag:s21] =	ssyncadd.s32 $0xFFFFC000  }
0x113: {  	[tilespmem:s16], [sflag:$0x1] =	stream.indirect.gather [hbm4b:s0+s15], $0x80, s31, s15, $0xb8;
	[tilespmem:$0x1D000] =	vst v63  }
0x114: {  	_ = 	snop  }
0x115: {  	[tilespmem:s17], [sflag:$0x2] =	stream.indirect.gather [hbm4b:s0+s15], $0x80, s1, s15, $0xb8;
	[tilespmem:$0x1D000] =	vst v63  }
0x116: {  	_ =	swait.ge [sflag:s18], $0x4000  }
0x117: {  	[sflag:s18] =	ssyncset.done $0x0  }
0x118: {  	[sflag:s18] =	ssyncadd.s32 $0xFFFFC000  }
0x119: {  	[spmem:s3] =	stream.indirect.scatter.add.f32 [tilespmem:s16], [sflag:$0x3], $0x80, s6, s15, $0xb8;
	[tilespmem:$0x1D000] =	vst v63  }
0x11a: {  	_ =	swait.ge [sflag:s19], $0x4000  }
0x11b: {  	[sflag:s19] =	ssyncset.done $0x0  }
0x11c: {  	[sflag:s19] =	ssyncadd.s32 $0xFFFFC000  }
0x11d: {  	[spmem:s3] =	stream.indirect.scatter.add.f32 [tilespmem:s17], [sflag:$0x3], $0x80, s7, s15, $0xb8;
	[tilespmem:$0x1D000] =	vst v63  }
.Ltmp5:
0x11e: {  	_ =	swait.ge [sflag:s21], $0x4000;
	(pc) =	sbr.rel @!p1 .LBB2_7-.Ltmp5, $4  }
0x11f: {  	[sflag:s21] =	ssyncset.done $0x0  }
0x120: {  	[sflag:s21] =	ssyncadd.s32 $0xFFFFC000  }
0x121: {  	_ =	swait.ge [sflag:s21], $0x4000  }
0x122: {  	s9 =	smov.u32 s2;
	[sflag:s21] =	ssyncset.done $0x0  }
0x123: {  	s2 =	sadd.s32 s8, s11;
	[sflag:s21] =	ssyncadd.s32 $0xFFFFC000  }
0x124: {  	[tilespmem:s4], [sflag:$0x4] =	stream.linear.gather [hbm4b:s2+s4], $0x400, $0x38;
	[tilespmem:$0x1D000] =	vst v63  }
0x125: {  	_ =	swait.ge [sflag:s13], $0x400  }
0x126: {  	[sflag:s13] =	ssyncset.done $0x0  }
0x127: {  	s9 =	sadd.s32 s8, s10;
	[sflag:s13] =	ssyncadd.s32 $0xFFFFFC00  }
0x128: {  	[tilespmem:s14], [sflag:$0x4] =	stream.linear.gather [hbm4b:s9+s4], $0x400, $0x38;
	[tilespmem:$0x1D000] =	vst v63  }
0x129: {  	_ =	swait.ge [sflag:s13], $0x400  }
0x12a: {  	[sflag:s13] =	ssyncset.done $0x0  }
0x12b: {  	[sflag:s13] =	ssyncadd.s32 $0xFFFFFC00  }
0x12c: {  	[tilespmem:s16], [sflag:$0x1] =	stream.indirect.gather [hbm4b:s0+s15], $0x80, s4, s15, $0xb8;
	[tilespmem:$0x1D000] =	vst v63  }
0x12d: {  	_ = 	snop  }
0x12e: {  	[tilespmem:s17], [sflag:$0x2] =	stream.indirect.gather [hbm4b:s0+s15], $0x80, s15, s15, $0xb8;
	[tilespmem:$0x1D000] =	vst v63  }
0x12f: {  	_ =	swait.ge [sflag:s18], $0x4000  }
0x130: {  	[sflag:s18] =	ssyncset.done $0x0  }
0x131: {  	[sflag:s18] =	ssyncadd.s32 $0xFFFFC000  }
0x132: {  	[spmem:s3] =	stream.indirect.scatter.add.f32 [tilespmem:s16], [sflag:$0x3], $0x80, s14, s15, $0xb8;
	[tilespmem:$0x1D000] =	vst v63  }
0x133: {  	_ =	swait.ge [sflag:s19], $0x4000  }
0x134: {  	[sflag:s19] =	ssyncset.done $0x0  }
0x135: {  	[sflag:s19] =	ssyncadd.s32 $0xFFFFC000  }
0x136: {  	[spmem:s3] =	stream.indirect.scatter.add.f32 [tilespmem:s17], [sflag:$0x3], $0x80, s20, s15, $0xb8;
	[tilespmem:$0x1D000] =	vst v63  }
0x137: {  	_ =	swait.ge [sflag:s21], $0x4000  }
0x138: {  	[sflag:s21] =	ssyncset.done $0x0  }
0x139: {  	[sflag:s21] =	ssyncadd.s32 $0xFFFFC000  }
0x13a: {  	_ =	swait.ge [sflag:s21], $0x4000  }
0x13b: {  	[sflag:s21] =	ssyncset.done $0x0  }
0x13c: {  	[sflag:s21] =	ssyncadd.s32 $0xFFFFC000  }
0x13d: {  	[tilespmem:s16], [sflag:$0x1] =	stream.indirect.gather [hbm4b:s0+s15], $0x80, s22, s15, $0xb8;
	[tilespmem:$0x1D000] =	vst v63  }
0x13e: {  	_ = 	snop  }
0x13f: {  	[tilespmem:s17], [sflag:$0x2] =	stream.indirect.gather [hbm4b:s0+s15], $0x80, s23, s15, $0xb8;
	[tilespmem:$0x1D000] =	vst v63  }
0x140: {  	_ =	swait.ge [sflag:s18], $0x4000  }
0x141: {  	[sflag:s18] =	ssyncset.done $0x0  }
0x142: {  	[sflag:s18] =	ssyncadd.s32 $0xFFFFC000  }
0x143: {  	[spmem:s3] =	stream.indirect.scatter.add.f32 [tilespmem:s16], [sflag:$0x3], $0x80, s24, s15, $0xb8;
	[tilespmem:$0x1D000] =	vst v63  }
0x144: {  	_ =	swait.ge [sflag:s19], $0x4000  }
0x145: {  	[sflag:s19] =	ssyncset.done $0x0  }
0x146: {  	[sflag:s19] =	ssyncadd.s32 $0xFFFFC000  }
0x147: {  	[spmem:s3] =	stream.indirect.scatter.add.f32 [tilespmem:s17], [sflag:$0x3], $0x80, s25, s15, $0xb8;
	[tilespmem:$0x1D000] =	vst v63  }
0x148: {  	_ =	swait.ge [sflag:s21], $0x4000  }
0x149: {  	[sflag:s21] =	ssyncset.done $0x0  }
0x14a: {  	[sflag:s21] =	ssyncadd.s32 $0xFFFFC000  }
0x14b: {  	_ =	swait.ge [sflag:s21], $0x4000  }
0x14c: {  	[sflag:s21] =	ssyncset.done $0x0  }
0x14d: {  	[sflag:s21] =	ssyncadd.s32 $0xFFFFC000  }
0x14e: {  	[tilespmem:s16], [sflag:$0x1] =	stream.indirect.gather [hbm4b:s0+s15], $0x80, s26, s15, $0xb8;
	[tilespmem:$0x1D000] =	vst v63  }
0x14f: {  	_ = 	snop  }
0x150: {  	[tilespmem:s17], [sflag:$0x2] =	stream.indirect.gather [hbm4b:s0+s15], $0x80, s28, s15, $0xb8;
	[tilespmem:$0x1D000] =	vst v63  }
0x151: {  	_ =	swait.ge [sflag:s18], $0x4000  }
0x152: {  	[sflag:s18] =	ssyncset.done $0x0  }
0x153: {  	[sflag:s18] =	ssyncadd.s32 $0xFFFFC000  }
0x154: {  	[spmem:s3] =	stream.indirect.scatter.add.f32 [tilespmem:s16], [sflag:$0x3], $0x80, s29, s15, $0xb8;
	[tilespmem:$0x1D000] =	vst v63  }
0x155: {  	_ =	swait.ge [sflag:s19], $0x4000  }
0x156: {  	[sflag:s19] =	ssyncset.done $0x0  }
0x157: {  	[sflag:s19] =	ssyncadd.s32 $0xFFFFC000  }
0x158: {  	[spmem:s3] =	stream.indirect.scatter.add.f32 [tilespmem:s17], [sflag:$0x3], $0x80, s30, s15, $0xb8;
	[tilespmem:$0x1D000] =	vst v63  }
0x159: {  	_ =	swait.ge [sflag:s21], $0x4000  }
0x15a: {  	[sflag:s21] =	ssyncset.done $0x0  }
0x15b: {  	[sflag:s21] =	ssyncadd.s32 $0xFFFFC000  }
0x15c: {  	_ =	swait.ge [sflag:s21], $0x4000  }
0x15d: {  	[sflag:s21] =	ssyncset.done $0x0  }
0x15e: {  	[sflag:s21] =	ssyncadd.s32 $0xFFFFC000  }
0x15f: {  	[tilespmem:s16], [sflag:$0x1] =	stream.indirect.gather [hbm4b:s0+s15], $0x80, s31, s15, $0xb8;
	[tilespmem:$0x1D000] =	vst v63  }
0x160: {  	_ = 	snop  }
0x161: {  	[tilespmem:s17], [sflag:$0x2] =	stream.indirect.gather [hbm4b:s0+s15], $0x80, s1, s15, $0xb8;
	[tilespmem:$0x1D000] =	vst v63  }
0x162: {  	_ =	swait.ge [sflag:s18], $0x4000  }
0x163: {  	[sflag:s18] =	ssyncset.done $0x0  }
0x164: {  	[sflag:s18] =	ssyncadd.s32 $0xFFFFC000  }
0x165: {  	[spmem:s3] =	stream.indirect.scatter.add.f32 [tilespmem:s16], [sflag:$0x3], $0x80, s6, s15, $0xb8;
	[tilespmem:$0x1D000] =	vst v63  }
0x166: {  	_ =	swait.ge [sflag:s19], $0x4000  }
0x167: {  	[sflag:s19] =	ssyncset.done $0x0  }
0x168: {  	[sflag:s19] =	ssyncadd.s32 $0xFFFFC000  }
0x169: {  	[spmem:s3] =	stream.indirect.scatter.add.f32 [tilespmem:s17], [sflag:$0x3], $0x80, s7, s15, $0xb8;
	[tilespmem:$0x1D000] =	vst v63  }
0x16a: {  	_ =	swait.ge [sflag:s21], $0x4000  }
.Ltmp6:
0x16b: {  	[sflag:s21] =	ssyncset.done $0x0;
	(pc) =	sbr.rel .LBB2_10-.Ltmp6, $4  }
0x16c: {  	[sflag:s21] =	ssyncadd.s32 $0xFFFFC000  }
0x16d: {  	_ =	swait.ge [sflag:s21], $0x4000  }
0x16e: {  	[sflag:s21] =	ssyncset.done $0x0;
	s22 =	rddreg [dreg:$0x6]  }
0x16f: {  	s20 =	stileid.u32;
	s9 =	rddreg [dreg:$0x8];
	[sflag:s21] =	ssyncadd.s32 $0xFFFFC000  }
.LBB2_11:
0x170: {  	_ =	sfence.sel $0x180000  }
0x171: {  	[bflag:$0x0] =	sbarrier.arrive $0xFFFF  }
0x172: {  	_ =	strace $0x9000004A  }
0x173: {  	[bflag:$0x2] =	sbarrier.arrive $0xFFFF  }
0x174: {  	p0 =	sne.s32 s20, $0x0;
	s0 =	rddreg [dreg:$0x3]  }
0x175: {  	s0 =	sadd.s32 @!p0 $0x100000, s0  }
0x176: {  	[sflag:s0] =	ssyncadd.tile.s32 @!p0 $0x1;
	_ =	shalt  }
.Lfunc_end2:
_tile_overlayer_lowered:
.L_overlay_start_2:
0x177: {  	(tag) =	ssettag $0x2  }
0x178: {  	s0 =	rddreg [dreg:$0x0];
	s2 =	stileid.u32  }
0x179: {  	s1 =	rddreg [dreg:$0x1];
	p0 =	sne.s32 s2, $0x0  }
0x17a: {  	s3 =	rddreg [dreg:$0x2];
	[bflag:$0x3] =	sbarrier.arrive $0xFFFF;
	s2 =	simm.s32 @!p0 $0x1C04  }
0x17b: {  	[timem:s3], [sflag:s2] =	dma.local @!p0 [hbm:s0], s1  }
0x17c: {  	s0 =	simm.s32 @!p0 $0x4  }
0x17d: {  	_ =	swait.ge @!p0 [sflag:s0], s1  }
0x17e: {  	s1 =	ssub.s32 @!p0 $0x0, s1;
	[sflag:s0] =	ssyncset.done @!p0 $0x0  }
0x17f: {  	[sflag:s0] =	ssyncadd.s32 @!p0 s1  }
0x180: {  	[bflag:$0x3] =	sbarrier.arrive $0xFFFF  }
0x181: {  	_ =	shalt  }

</sc_bundles>
